<compile_context>
chip_gen: v7x
topology: tpu7x:2x2x1
jax: 0.10.2.dev20260603
libtpu: 0.0.44.dev20260713+nightly
codegen_flags: <defaults>
</compile_context>

<pallas_src>
import functools

import jax
import jax.numpy as jnp
from jax import lax
from jax.experimental import pallas as pl
from jax.experimental.pallas import tpu as pltpu
from jax.experimental.pallas import tpu_sc as plsc

_K = 16
_EPS = 1e-3
_NC, _NS = 2, 16
_NW = _NC * _NS


def _knn_kernel(x_ref, xt_ref, nn_ref, d_scr):
    RB, N = d_scr.shape
    d = jnp.zeros((RB, N), jnp.float32)
    for f in range(3):
        pi = xt_ref[0, :, f:f + 1]
        pj = x_ref[0, f:f + 1, :]
        diff = pi - pj
        d = d + diff * diff
    lane = lax.broadcasted_iota(jnp.int32, (RB, N), 1).astype(jnp.float32)
    big = jnp.float32(3.0e38)
    nf = jnp.float32(N)
    rowid = (lax.broadcasted_iota(jnp.int32, (RB, N), 0)
             + pl.program_id(1) * RB).astype(jnp.float32)
    d_scr[:, :] = jnp.where(lane == rowid, big, d)
    for j in range(_K):
        dd = d_scr[:, :]
        m = jnp.min(dd, axis=1, keepdims=True)
        eq = dd == m
        d_scr[:, :] = jnp.where(eq, big, dd)
        idx = jnp.min(jnp.where(eq, lane, nf), axis=1, keepdims=True)
        nn_ref[0, :, j:j + 1] = idx.astype(jnp.int32)


def _knn(X, Xt3, interpret=False):
    B, F, N = X.shape
    RB = 256
    grid = (B, N // RB)
    return pl.pallas_call(
        _knn_kernel,
        grid=grid,
        in_specs=[
            pl.BlockSpec((1, 8, N), lambda b, r: (b, 0, 0)),
            pl.BlockSpec((1, RB, F), lambda b, r: (b, r, 0)),
        ],
        out_specs=pl.BlockSpec((1, RB, 128), lambda b, r: (b, r, 0)),
        out_shape=jax.ShapeDtypeStruct((B, N, 128), jnp.int32),
        scratch_shapes=[pltpu.VMEM((RB, N), jnp.float32)],
        interpret=interpret,
    )(X, Xt3)


def _sc_gather(table, idx, E, D):
    RW = E // _NW
    CH = 128
    G = 4
    n_chunks = RW // CH
    NIT = n_chunks // G
    mesh = plsc.VectorSubcoreMesh(core_axis_name="c", subcore_axis_name="s")

    @functools.partial(
        pl.kernel,
        mesh=mesh,
        out_type=jax.ShapeDtypeStruct((E, D), jnp.float32),
        scratch_types=[
            pltpu.VMEM((G, CH), jnp.int32),
            pltpu.VMEM((G, CH, D), jnp.float32),
            pltpu.SemaphoreType.DMA((G,)),
        ],
    )
    def gk(table_hbm, idx_hbm, out_hbm, idx_v, rows_v, sem):
        wid = lax.axis_index("s") * _NC + lax.axis_index("c")
        base = wid * RW

        def issue(slot, chunk):
            pltpu.sync_copy(idx_hbm.at[pl.ds(base + chunk * CH, CH)],
                            idx_v.at[slot])
            pltpu.async_copy(table_hbm.at[idx_v.at[slot]], rows_v.at[slot],
                             sem.at[slot])

        for g in range(G):
            issue(g, g)

        def outer(t, carry):
            for g in range(G):
                c = t * G + g
                pltpu.make_async_copy(table_hbm.at[idx_v.at[g]],
                                      rows_v.at[g], sem.at[g]).wait()
                pltpu.sync_copy(rows_v.at[g],
                                out_hbm.at[pl.ds(base + c * CH, CH)])

                @pl.when(t < NIT - 1)
                def _():
                    issue(g, c + G)
            return carry

        lax.fori_loop(0, NIT, outer, 0)

    return gk(table, idx)


def _l0_kernel(xg_ref, xt_ref, w0at_ref, w0bat_ref, b0_ref, z0_ref, st_ref,
               c_scr):
    b = pl.program_id(0)
    k = pl.program_id(1)

    @pl.when(k == 0)
    def _():
        c_scr[:, :] = (jnp.dot(xt_ref[0], w0bat_ref[:, :],
                               preferred_element_type=jnp.float32)
                       + b0_ref[:, :])

    ag = jnp.dot(xg_ref[0, 0], w0at_ref[:, :],
                 preferred_element_type=jnp.float32)
    z = jnp.maximum(ag + c_scr[:, :], 0.0)
    z0_ref[0, 0] = z.astype(jnp.bfloat16)

    @pl.when(jnp.logical_and(b == 0, k == 0))
    def _():
        st_ref[:, :] = jnp.zeros_like(st_ref)

    st_ref[0:1, :] += jnp.sum(z, axis=0, keepdims=True)
    st_ref[1:2, :] += jnp.sum(z * z, axis=0, keepdims=True)


def _l0(Xg4, Xt3, W0at, W0bat, b0r, interpret=False):
    B, K, N, FP = Xg4.shape
    F = Xt3.shape[2]
    C = W0at.shape[1]
    return pl.pallas_call(
        _l0_kernel,
        grid=(B, K),
        in_specs=[
            pl.BlockSpec((1, 1, N, FP), lambda b, k: (b, k, 0, 0)),
            pl.BlockSpec((1, N, F), lambda b, k: (b, 0, 0)),
            pl.BlockSpec((FP, C), lambda b, k: (0, 0)),
            pl.BlockSpec((F, C), lambda b, k: (0, 0)),
            pl.BlockSpec((1, C), lambda b, k: (0, 0)),
        ],
        out_specs=[
            pl.BlockSpec((1, 1, N, C), lambda b, k: (b, k, 0, 0)),
            pl.BlockSpec((8, C), lambda b, k: (0, 0)),
        ],
        out_shape=[
            jax.ShapeDtypeStruct((B, K, N, C), jnp.bfloat16),
            jax.ShapeDtypeStruct((8, C), jnp.float32),
        ],
        scratch_shapes=[pltpu.VMEM((N, C), jnp.float32)],
        interpret=interpret,
    )(Xg4, Xt3, W0at, W0bat, b0r)


def _mid_kernel(cnt, z_ref, st_in_ref, wt_ref, br_ref, g_ref, be_ref,
                zo_ref, st_ref):
    b = pl.program_id(0)
    k = pl.program_id(1)
    s = st_in_ref[0:1, :]
    ss = st_in_ref[1:2, :]
    m = s * (1.0 / cnt)
    var = ss * (1.0 / cnt) - m * m
    scale = g_ref[:, :] * lax.rsqrt(var + _EPS)
    shift = be_ref[:, :] - m * scale
    zin = z_ref[0, 0].astype(jnp.float32) * scale + shift
    z = jnp.maximum(jnp.dot(zin, wt_ref[:, :],
                            preferred_element_type=jnp.float32)
                    + br_ref[:, :], 0.0)
    zo_ref[0, 0] = z.astype(jnp.bfloat16)

    @pl.when(jnp.logical_and(b == 0, k == 0))
    def _():
        st_ref[:, :] = jnp.zeros_like(st_ref)

    st_ref[0:1, :] += jnp.sum(z, axis=0, keepdims=True)
    st_ref[1:2, :] += jnp.sum(z * z, axis=0, keepdims=True)


def _l1(Z0, st0, W1t, b1r, g0r, be0r, interpret=False):
    B, K, N, C = Z0.shape
    cnt = float(B * K * N)
    return pl.pallas_call(
        functools.partial(_mid_kernel, cnt),
        grid=(B, K),
        in_specs=[
            pl.BlockSpec((1, 1, N, C), lambda b, k: (b, k, 0, 0)),
            pl.BlockSpec((8, C), lambda b, k: (0, 0)),
            pl.BlockSpec((C, C), lambda b, k: (0, 0)),
            pl.BlockSpec((1, C), lambda b, k: (0, 0)),
            pl.BlockSpec((1, C), lambda b, k: (0, 0)),
            pl.BlockSpec((1, C), lambda b, k: (0, 0)),
        ],
        out_specs=[
            pl.BlockSpec((1, 1, N, C), lambda b, k: (b, k, 0, 0)),
            pl.BlockSpec((8, C), lambda b, k: (0, 0)),
        ],
        out_shape=[
            jax.ShapeDtypeStruct((B, K, N, C), jnp.bfloat16),
            jax.ShapeDtypeStruct((8, C), jnp.float32),
        ],
        interpret=interpret,
    )(Z0, st0, W1t, b1r, g0r, be0r)


def _l2_kernel(cnt, z_ref, st_in_ref, wt_ref, br_ref, g_ref, be_ref,
               x_ref, wsc_ref, s2_ref, st_ref, sc_ref, stsc_ref):
    b = pl.program_id(0)
    k = pl.program_id(1)
    s = st_in_ref[0:1, :]
    ss = st_in_ref[1:2, :]
    m = s * (1.0 / cnt)
    var = ss * (1.0 / cnt) - m * m
    scale = g_ref[:, :] * lax.rsqrt(var + _EPS)
    shift = be_ref[:, :] - m * scale
    zin = z_ref[0, 0].astype(jnp.float32) * scale + shift
    z = jnp.maximum(jnp.dot(zin, wt_ref[:, :],
                            preferred_element_type=jnp.float32)
                    + br_ref[:, :], 0.0)

    @pl.when(k == 0)
    def _():
        s2_ref[0] = z
        scv = jnp.dot(wsc_ref[:, :], x_ref[0],
                      preferred_element_type=jnp.float32)
        sc_ref[0] = scv

        @pl.when(b == 0)
        def _():
            stsc_ref[:, :] = jnp.zeros_like(stsc_ref)

        stsc_ref[:, 0:1] += jnp.sum(scv, axis=1, keepdims=True)
        stsc_ref[:, 1:2] += jnp.sum(scv * scv, axis=1, keepdims=True)

    @pl.when(k > 0)
    def _():
        s2_ref[0] += z

    @pl.when(jnp.logical_and(b == 0, k == 0))
    def _():
        st_ref[:, :] = jnp.zeros_like(st_ref)

    st_ref[0:1, :] += jnp.sum(z, axis=0, keepdims=True)
    st_ref[1:2, :] += jnp.sum(z * z, axis=0, keepdims=True)


def _l2(Z1, st1, W2t, b2r, g1r, be1r, X, Wsc, interpret=False):
    B, K, N, C = Z1.shape
    F = X.shape[1]
    cnt = float(B * K * N)
    return pl.pallas_call(
        functools.partial(_l2_kernel, cnt),
        grid=(B, K),
        in_specs=[
            pl.BlockSpec((1, 1, N, C), lambda b, k: (b, k, 0, 0)),
            pl.BlockSpec((8, C), lambda b, k: (0, 0)),
            pl.BlockSpec((C, C), lambda b, k: (0, 0)),
            pl.BlockSpec((1, C), lambda b, k: (0, 0)),
            pl.BlockSpec((1, C), lambda b, k: (0, 0)),
            pl.BlockSpec((1, C), lambda b, k: (0, 0)),
            pl.BlockSpec((1, F, N), lambda b, k: (b, 0, 0)),
            pl.BlockSpec((C, F), lambda b, k: (0, 0)),
        ],
        out_specs=[
            pl.BlockSpec((1, N, C), lambda b, k: (b, 0, 0)),
            pl.BlockSpec((8, C), lambda b, k: (0, 0)),
            pl.BlockSpec((1, C, N), lambda b, k: (b, 0, 0)),
            pl.BlockSpec((C, 8), lambda b, k: (0, 0)),
        ],
        out_shape=[
            jax.ShapeDtypeStruct((B, N, C), jnp.float32),
            jax.ShapeDtypeStruct((8, C), jnp.float32),
            jax.ShapeDtypeStruct((B, C, N), jnp.float32),
            jax.ShapeDtypeStruct((C, 8), jnp.float32),
        ],
        interpret=interpret,
    )(Z1, st1, W2t, b2r, g1r, be1r, X, Wsc)


def _fin_kernel(cnt2, cntsc, s2_ref, sc_ref, st2_ref, stsc_ref, g2_ref,
                be2_ref, gsc_ref, besc_ref, out_ref):
    s = st2_ref[0:1, :]
    ss = st2_ref[1:2, :]
    m = s * (1.0 / cnt2)
    var = ss * (1.0 / cnt2) - m * m
    scale = g2_ref[:, :] * lax.rsqrt(var + _EPS)
    shift = be2_ref[:, :] - m * scale
    hp = s2_ref[0] * (1.0 / _K)
    hpn = hp * scale + shift
    hpt = jnp.transpose(hpn, (1, 0))

    s_c = stsc_ref[:, 0:1]
    ss_c = stsc_ref[:, 1:2]
    mc = s_c * (1.0 / cntsc)
    varc = ss_c * (1.0 / cntsc) - mc * mc
    scalec = gsc_ref[:, :] * lax.rsqrt(varc + _EPS)
    shiftc = besc_ref[:, :] - mc * scalec
    scn = sc_ref[0] * scalec + shiftc
    out_ref[0] = jnp.maximum(hpt + scn, 0.0)


def _fin(S2, SC, st2, stsc, g2r, be2r, gscc, bescc, interpret=False):
    B, N, C = S2.shape
    cnt2 = float(B * _K * N)
    cntsc = float(B * N)
    return pl.pallas_call(
        functools.partial(_fin_kernel, cnt2, cntsc),
        grid=(B,),
        in_specs=[
            pl.BlockSpec((1, N, C), lambda b: (b, 0, 0)),
            pl.BlockSpec((1, C, N), lambda b: (b, 0, 0)),
            pl.BlockSpec((8, C), lambda b: (0, 0)),
            pl.BlockSpec((C, 8), lambda b: (0, 0)),
            pl.BlockSpec((1, C), lambda b: (0, 0)),
            pl.BlockSpec((1, C), lambda b: (0, 0)),
            pl.BlockSpec((C, 1), lambda b: (0, 0)),
            pl.BlockSpec((C, 1), lambda b: (0, 0)),
        ],
        out_specs=pl.BlockSpec((1, C, N), lambda b: (b, 0, 0)),
        out_shape=jax.ShapeDtypeStruct((B, C, N), jnp.float32),
        interpret=interpret,
    )(S2, SC, st2, stsc, g2r, be2r, gscc, bescc)


def kernel(X, W0, b0, g0, beta0, W1, b1, g1, beta1, W2, b2, g2, beta2,
           Wsc, gsc, betasc):
    B, F, N = X.shape
    C = W0.shape[0]
    E = B * _K * N

    Xt = jnp.transpose(X, (0, 2, 1))
    nn = _knn(X, Xt)[:, :, :_K]
    idxT = jnp.transpose(nn, (0, 2, 1))
    flat_idx = (idxT
                + (jnp.arange(B, dtype=jnp.int32) * N)[:, None, None]
                ).reshape(E)
    FP = 128
    Xt_pad = jnp.concatenate(
        [Xt.reshape(B * N, F),
         jnp.zeros((B * N, FP - F), jnp.float32)], axis=1)
    Xg = _sc_gather(Xt_pad, flat_idx, E, FP)

    W0a = W0[:, :F]
    W0b = W0[:, F:]
    W0at_p = jnp.concatenate(
        [jnp.transpose(W0a), jnp.zeros((FP - F, C), jnp.float32)], axis=0)
    z0, st0 = _l0(Xg.reshape(B, _K, N, FP), Xt,
                  W0at_p, jnp.transpose(W0b - W0a),
                  b0.reshape(1, C))
    z1, st1 = _l1(z0, st0, jnp.transpose(W1), b1.reshape(1, C),
                  g0.reshape(1, C), beta0.reshape(1, C))
    s2, st2, sc, stsc = _l2(z1, st1, jnp.transpose(W2), b2.reshape(1, C),
                            g1.reshape(1, C), beta1.reshape(1, C), X, Wsc)
    return _fin(s2, sc, st2, stsc, g2.reshape(1, C), beta2.reshape(1, C),
                gsc.reshape(C, 1), betasc.reshape(C, 1))

# --- scband reference (transcript-rebuilt; emitter-appended) ---
"""Pipeline reference for scband-edge-convolution-60722247630942 (READ-ONLY COPY).

The authoritative reference and input builder live on the scoring server;
editing this copy changes nothing except your own understanding.
"""

import jax, jax.numpy as jnp
import numpy as np

POINT_INDICES = jnp.array([0, 1, 2], dtype=jnp.int32)
KNN = 16


def setup_inputs(seed: int = 0) -> dict:
    key = jax.random.key(seed)
    ks = jax.random.split(key, 16)
    B, F, N = 16, 64, 1024
    dims = [256, 256, 256]
    inp = {"X": jax.random.normal(ks[0], (B, F, N), dtype=jnp.float32)}
    prev = 2 * F
    for i, d in enumerate(dims):
        inp[f"W{i}"] = jax.random.normal(ks[1 + i], (d, prev), dtype=jnp.float32) * (1.0 / np.sqrt(prev))
        inp[f"b{i}"] = jnp.zeros((d,), dtype=jnp.float32)
        inp[f"g{i}"] = jnp.ones((d,), dtype=jnp.float32)
        inp[f"beta{i}"] = jnp.zeros((d,), dtype=jnp.float32)
        prev = d
    inp["Wsc"] = jax.random.normal(ks[10], (dims[-1], F), dtype=jnp.float32) * (1.0 / np.sqrt(F))
    inp["gsc"] = jnp.ones((dims[-1],), dtype=jnp.float32)
    inp["betasc"] = jnp.zeros((dims[-1],), dtype=jnp.float32)
    return inp


def _bn2d(x, g, b, eps=1e-3):
    m = jnp.mean(x, axis=(0, 2, 3), keepdims=True)
    v = jnp.mean((x - m) ** 2, axis=(0, 2, 3), keepdims=True)
    return (x - m) / jnp.sqrt(v + eps) * g.reshape(1, -1, 1, 1) + b.reshape(1, -1, 1, 1)


def _bn1d(x, g, b, eps=1e-3):
    m = jnp.mean(x, axis=(0, 2), keepdims=True)
    v = jnp.mean((x - m) ** 2, axis=(0, 2), keepdims=True)
    return (x - m) / jnp.sqrt(v + eps) * g.reshape(1, -1, 1) + b.reshape(1, -1, 1)


def reference(X, W0, b0, g0, beta0, W1, b1, g1, beta1, W2, b2, g2, beta2, Wsc, gsc, betasc):
    B, F, N = X.shape
    K = min(N - 1, KNN)
    # points: [B, P, N] -> transpose(-1, 0) -> [N, P, B]
    points = X[:, POINT_INDICES, :]
    pt = jnp.transpose(points, (2, 1, 0))
    # deltas: [N, 1, P, B] - [1, N, P, B] -> [N, N, P, B]
    deltas = pt[:, None, :, :] - pt[None, :, :, :]
    # squared euclidean distances: [B, N, N]
    distances = jnp.einsum('jkfm,jkfm->mjk', deltas, deltas)
    # K+1 smallest, drop self (index 0 after ascending sort)
    _, idx = jax.lax.top_k(-distances, K + 1)
    nn = idx[:, :, 1:]  # [B, N, K]
    idxT = jnp.transpose(nn, (0, 2, 1))  # [B, K, N]
    X_center = jnp.broadcast_to(X[:, :, None, :], (B, F, K, N))
    idx_bc = jnp.broadcast_to(idxT[:, None, :, :], (B, F, K, N))
    X_nn = jnp.take_along_axis(X_center, idx_bc, axis=3)
    H = jnp.concatenate((X_nn - X_center, X_center), axis=1)  # [B, 2F, K, N]
    for (W, bb, g, be) in ((W0, b0, g0, beta0), (W1, b1, g1, beta1), (W2, b2, g2, beta2)):
        H = jnp.einsum('oi,bikn->bokn', W, H) + bb.reshape(1, -1, 1, 1)
        H = jax.nn.relu(H)
        H = _bn2d(H, g, be)
    Hp = jnp.mean(H, axis=2)  # mean pooling over K -> [B, C, N]
    sc = jnp.einsum('oi,bin->bon', Wsc, X)
    sc = _bn1d(sc, gsc, betasc)
    return jax.nn.relu(Hp + sc)

if __name__ == "__main__":
    import jax
    _d = setup_inputs()
    print(jax.jit(kernel)(*tuple(_d.values())))

</pallas_src>

<mosaic_0001>
#map = affine_map<(d0, d1) -> (0, 0)>
#map1 = affine_map<(d0, d1) -> (0)>
module attributes {stable_mosaic.version = 14 : i64} {
  func.func @gk(%arg0: i32, %arg1: i32, %arg2: memref<16384x128xf32, #tpu.memory_space<hbm>>, %arg3: memref<262144xi32, #tpu.memory_space<hbm>>, %arg4: memref<262144x128xf32, #tpu.memory_space<hbm>>, %arg5: memref<4x128xi32, #tpu.memory_space<vmem>>, %arg6: memref<4x128x128xf32, #tpu.memory_space<vmem>>, %arg7: memref<4x!tpu.dma_semaphore, #tpu.memory_space<semaphore_mem>>) attributes {dimension_semantics = [#tpu.dimension_semantics<core_parallel>, #tpu.dimension_semantics<subcore_parallel>], iteration_bounds = array<i64: 2, 16>, scalar_prefetch = 0 : i64, scratch_operands = 3 : i64, tpu.core_type = #tpu.core_type<sc_vector_subcore>, window_params = [{transform_indices = #map}, {transform_indices = #map1}, {transform_indices = #map}]} {
    %mul3A = arith.constant 2 : i32
    %mul3A_0 = arith.muli %arg1, %mul3A : i32
    %add3A = arith.addi %mul3A_0, %arg0 : i32
    %mul3A_1 = arith.constant 8192 : i32
    %mul3A_2 = arith.muli %add3A, %mul3A_1 : i32
    %add3A_3 = arith.constant 0 : i32
    %add3A_4 = arith.addi %mul3A_2, %add3A_3 : i32
    %run_scoped3A = arith.constant 0 : i32
    "tpu.region"() ({
      %run_scoped3A_78 = tpu.sem_alloc : memref<!tpu.dma_semaphore, #tpu.memory_space<semaphore_mem>>
      %dma_start3A_79 = arith.constant 0 : i32
      %dma_start3A_80 = tpu.memref_slice %arg5[%run_scoped3A, %dma_start3A_79] : memref<4x128xi32, #tpu.memory_space<vmem>> -> memref<1x128xi32, #tpu.memory_space<vmem>>
      %dma_start3A_81 = tpu.memref_squeeze %dma_start3A_80 : memref<1x128xi32, #tpu.memory_space<vmem>> -> memref<128xi32, #tpu.memory_space<vmem>>
      %dma_start3A_82 = tpu.memref_slice %arg3[%add3A_4] : memref<262144xi32, #tpu.memory_space<hbm>> -> memref<128xi32, #tpu.memory_space<hbm>>
      %dma_start3A_83 = arith.constant 0 : i32
      %dma_start3A_84 = tpu.memref_slice %arg5[%run_scoped3A, %dma_start3A_83] : memref<4x128xi32, #tpu.memory_space<vmem>> -> memref<1x128xi32, #tpu.memory_space<vmem>>
      %dma_start3A_85 = tpu.memref_squeeze %dma_start3A_84 : memref<1x128xi32, #tpu.memory_space<vmem>> -> memref<128xi32, #tpu.memory_space<vmem>>
      %dma_start3A_86 = tpu.memref_slice %arg3[%add3A_4] : memref<262144xi32, #tpu.memory_space<hbm>> -> memref<128xi32, #tpu.memory_space<hbm>>
      tpu.enqueue_dma source(%dma_start3A_86 : memref<128xi32, #tpu.memory_space<hbm>>) target(%dma_start3A_85 : memref<128xi32, #tpu.memory_space<vmem>>) target_semaphore(%run_scoped3A_78 : memref<!tpu.dma_semaphore, #tpu.memory_space<semaphore_mem>>)
      %dma_wait3A = arith.constant 0 : i32
      %dma_wait3A_87 = tpu.memref_slice %arg5[%run_scoped3A, %dma_wait3A] : memref<4x128xi32, #tpu.memory_space<vmem>> -> memref<1x128xi32, #tpu.memory_space<vmem>>
      %dma_wait3A_88 = tpu.memref_squeeze %dma_wait3A_87 : memref<1x128xi32, #tpu.memory_space<vmem>> -> memref<128xi32, #tpu.memory_space<vmem>>
      %dma_wait3A_89 = tpu.memref_slice %arg3[%add3A_4] : memref<262144xi32, #tpu.memory_space<hbm>> -> memref<128xi32, #tpu.memory_space<hbm>>
      %dma_wait3A_90 = arith.constant 0 : i32
      %dma_wait3A_91 = tpu.memref_slice %arg5[%run_scoped3A, %dma_wait3A_90] : memref<4x128xi32, #tpu.memory_space<vmem>> -> memref<1x128xi32, #tpu.memory_space<vmem>>
      %dma_wait3A_92 = tpu.memref_squeeze %dma_wait3A_91 : memref<1x128xi32, #tpu.memory_space<vmem>> -> memref<128xi32, #tpu.memory_space<vmem>>
      %dma_wait3A_93 = tpu.memref_slice %arg3[%add3A_4] : memref<262144xi32, #tpu.memory_space<hbm>> -> memref<128xi32, #tpu.memory_space<hbm>>
      tpu.wait_dma2 semaphore(%run_scoped3A_78 : memref<!tpu.dma_semaphore, #tpu.memory_space<semaphore_mem>>) src(%dma_wait3A_93 : memref<128xi32, #tpu.memory_space<hbm>>) dst(%dma_wait3A_92 : memref<128xi32, #tpu.memory_space<vmem>>)
      tpu.yield
    }) : () -> ()
    %dma_start3A = arith.constant 0 : i32
    %dma_start3A_5 = arith.constant 0 : i32
    %dma_start3A_6 = arith.constant 0 : i32
    %dma_start3A_7 = arith.constant 0 : i32
    %dma_start3A_8 = arith.constant 0 : i32
    %dma_start3A_9 = tpu.memref_slice %arg6[%dma_start3A_5, %dma_start3A_7, %dma_start3A_8] : memref<4x128x128xf32, #tpu.memory_space<vmem>> -> memref<1x128x128xf32, #tpu.memory_space<vmem>>
    %dma_start3A_10 = tpu.memref_squeeze %dma_start3A_9 : memref<1x128x128xf32, #tpu.memory_space<vmem>> -> memref<128x128xf32, #tpu.memory_space<vmem>>
    %dma_start3A_11 = arith.constant 0 : i32
    %dma_start3A_12 = tpu.memref_slice %arg5[%dma_start3A, %dma_start3A_11] : memref<4x128xi32, #tpu.memory_space<vmem>> -> memref<1x128xi32, #tpu.memory_space<vmem>>
    %dma_start3A_13 = tpu.memref_squeeze %dma_start3A_12 : memref<1x128xi32, #tpu.memory_space<vmem>> -> memref<128xi32, #tpu.memory_space<vmem>>
    %dma_start3A_14 = arith.constant 0 : i32
    %dma_start3A_15 = arith.constant 0 : i32
    %dma_start3A_16 = tpu.memref_slice %arg2[%dma_start3A_14, %dma_start3A_15] : memref<16384x128xf32, #tpu.memory_space<hbm>> -> memref<16384x128xf32, #tpu.memory_space<hbm>>
    %dma_start3A_17 = tpu.memref_slice %arg7[%dma_start3A_6] : memref<4x!tpu.dma_semaphore, #tpu.memory_space<semaphore_mem>> -> memref<1x!tpu.dma_semaphore, #tpu.memory_space<semaphore_mem>>
    %dma_start3A_18 = tpu.memref_squeeze %dma_start3A_17 : memref<1x!tpu.dma_semaphore, #tpu.memory_space<semaphore_mem>> -> memref<!tpu.dma_semaphore, #tpu.memory_space<semaphore_mem>>
    tpu.enqueue_indirect_dma source(%dma_start3A_16 : memref<16384x128xf32, #tpu.memory_space<hbm>>) target(%dma_start3A_10 : memref<128x128xf32, #tpu.memory_space<vmem>>) offsets(%dma_start3A_13 : memref<128xi32, #tpu.memory_space<vmem>>) semaphore(%dma_start3A_18 : memref<!tpu.dma_semaphore, #tpu.memory_space<semaphore_mem>>)
    %add3A_19 = arith.constant 128 : i32
    %add3A_20 = arith.addi %mul3A_2, %add3A_19 : i32
    %run_scoped3A_21 = arith.constant 1 : i32
    "tpu.region"() ({
      %run_scoped3A_78 = tpu.sem_alloc : memref<!tpu.dma_semaphore, #tpu.memory_space<semaphore_mem>>
      %dma_start3A_79 = arith.constant 0 : i32
      %dma_start3A_80 = tpu.memref_slice %arg5[%run_scoped3A_21, %dma_start3A_79] : memref<4x128xi32, #tpu.memory_space<vmem>> -> memref<1x128xi32, #tpu.memory_space<vmem>>
      %dma_start3A_81 = tpu.memref_squeeze %dma_start3A_80 : memref<1x128xi32, #tpu.memory_space<vmem>> -> memref<128xi32, #tpu.memory_space<vmem>>
      %dma_start3A_82 = tpu.memref_slice %arg3[%add3A_20] : memref<262144xi32, #tpu.memory_space<hbm>> -> memref<128xi32, #tpu.memory_space<hbm>>
      %dma_start3A_83 = arith.constant 0 : i32
      %dma_start3A_84 = tpu.memref_slice %arg5[%run_scoped3A_21, %dma_start3A_83] : memref<4x128xi32, #tpu.memory_space<vmem>> -> memref<1x128xi32, #tpu.memory_space<vmem>>
      %dma_start3A_85 = tpu.memref_squeeze %dma_start3A_84 : memref<1x128xi32, #tpu.memory_space<vmem>> -> memref<128xi32, #tpu.memory_space<vmem>>
      %dma_start3A_86 = tpu.memref_slice %arg3[%add3A_20] : memref<262144xi32, #tpu.memory_space<hbm>> -> memref<128xi32, #tpu.memory_space<hbm>>
      tpu.enqueue_dma source(%dma_start3A_86 : memref<128xi32, #tpu.memory_space<hbm>>) target(%dma_start3A_85 : memref<128xi32, #tpu.memory_space<vmem>>) target_semaphore(%run_scoped3A_78 : memref<!tpu.dma_semaphore, #tpu.memory_space<semaphore_mem>>)
      %dma_wait3A = arith.constant 0 : i32
      %dma_wait3A_87 = tpu.memref_slice %arg5[%run_scoped3A_21, %dma_wait3A] : memref<4x128xi32, #tpu.memory_space<vmem>> -> memref<1x128xi32, #tpu.memory_space<vmem>>
      %dma_wait3A_88 = tpu.memref_squeeze %dma_wait3A_87 : memref<1x128xi32, #tpu.memory_space<vmem>> -> memref<128xi32, #tpu.memory_space<vmem>>
      %dma_wait3A_89 = tpu.memref_slice %arg3[%add3A_20] : memref<262144xi32, #tpu.memory_space<hbm>> -> memref<128xi32, #tpu.memory_space<hbm>>
      %dma_wait3A_90 = arith.constant 0 : i32
      %dma_wait3A_91 = tpu.memref_slice %arg5[%run_scoped3A_21, %dma_wait3A_90] : memref<4x128xi32, #tpu.memory_space<vmem>> -> memref<1x128xi32, #tpu.memory_space<vmem>>
      %dma_wait3A_92 = tpu.memref_squeeze %dma_wait3A_91 : memref<1x128xi32, #tpu.memory_space<vmem>> -> memref<128xi32, #tpu.memory_space<vmem>>
      %dma_wait3A_93 = tpu.memref_slice %arg3[%add3A_20] : memref<262144xi32, #tpu.memory_space<hbm>> -> memref<128xi32, #tpu.memory_space<hbm>>
      tpu.wait_dma2 semaphore(%run_scoped3A_78 : memref<!tpu.dma_semaphore, #tpu.memory_space<semaphore_mem>>) src(%dma_wait3A_93 : memref<128xi32, #tpu.memory_space<hbm>>) dst(%dma_wait3A_92 : memref<128xi32, #tpu.memory_space<vmem>>)
      tpu.yield
    }) : () -> ()
    %dma_start3A_22 = arith.constant 1 : i32
    %dma_start3A_23 = arith.constant 1 : i32
    %dma_start3A_24 = arith.constant 1 : i32
    %dma_start3A_25 = arith.constant 0 : i32
    %dma_start3A_26 = arith.constant 0 : i32
    %dma_start3A_27 = tpu.memref_slice %arg6[%dma_start3A_23, %dma_start3A_25, %dma_start3A_26] : memref<4x128x128xf32, #tpu.memory_space<vmem>> -> memref<1x128x128xf32, #tpu.memory_space<vmem>>
    %dma_start3A_28 = tpu.memref_squeeze %dma_start3A_27 : memref<1x128x128xf32, #tpu.memory_space<vmem>> -> memref<128x128xf32, #tpu.memory_space<vmem>>
    %dma_start3A_29 = arith.constant 0 : i32
    %dma_start3A_30 = tpu.memref_slice %arg5[%dma_start3A_22, %dma_start3A_29] : memref<4x128xi32, #tpu.memory_space<vmem>> -> memref<1x128xi32, #tpu.memory_space<vmem>>
    %dma_start3A_31 = tpu.memref_squeeze %dma_start3A_30 : memref<1x128xi32, #tpu.memory_space<vmem>> -> memref<128xi32, #tpu.memory_space<vmem>>
    %dma_start3A_32 = arith.constant 0 : i32
    %dma_start3A_33 = arith.constant 0 : i32
    %dma_start3A_34 = tpu.memref_slice %arg2[%dma_start3A_32, %dma_start3A_33] : memref<16384x128xf32, #tpu.memory_space<hbm>> -> memref<16384x128xf32, #tpu.memory_space<hbm>>
    %dma_start3A_35 = tpu.memref_slice %arg7[%dma_start3A_24] : memref<4x!tpu.dma_semaphore, #tpu.memory_space<semaphore_mem>> -> memref<1x!tpu.dma_semaphore, #tpu.memory_space<semaphore_mem>>
    %dma_start3A_36 = tpu.memref_squeeze %dma_start3A_35 : memref<1x!tpu.dma_semaphore, #tpu.memory_space<semaphore_mem>> -> memref<!tpu.dma_semaphore, #tpu.memory_space<semaphore_mem>>
    tpu.enqueue_indirect_dma source(%dma_start3A_34 : memref<16384x128xf32, #tpu.memory_space<hbm>>) target(%dma_start3A_28 : memref<128x128xf32, #tpu.memory_space<vmem>>) offsets(%dma_start3A_31 : memref<128xi32, #tpu.memory_space<vmem>>) semaphore(%dma_start3A_36 : memref<!tpu.dma_semaphore, #tpu.memory_space<semaphore_mem>>)
    %add3A_37 = arith.constant 256 : i32
    %add3A_38 = arith.addi %mul3A_2, %add3A_37 : i32
    %run_scoped3A_39 = arith.constant 2 : i32
    "tpu.region"() ({
      %run_scoped3A_78 = tpu.sem_alloc : memref<!tpu.dma_semaphore, #tpu.memory_space<semaphore_mem>>
      %dma_start3A_79 = arith.constant 0 : i32
      %dma_start3A_80 = tpu.memref_slice %arg5[%run_scoped3A_39, %dma_start3A_79] : memref<4x128xi32, #tpu.memory_space<vmem>> -> memref<1x128xi32, #tpu.memory_space<vmem>>
      %dma_start3A_81 = tpu.memref_squeeze %dma_start3A_80 : memref<1x128xi32, #tpu.memory_space<vmem>> -> memref<128xi32, #tpu.memory_space<vmem>>
      %dma_start3A_82 = tpu.memref_slice %arg3[%add3A_38] : memref<262144xi32, #tpu.memory_space<hbm>> -> memref<128xi32, #tpu.memory_space<hbm>>
      %dma_start3A_83 = arith.constant 0 : i32
      %dma_start3A_84 = tpu.memref_slice %arg5[%run_scoped3A_39, %dma_start3A_83] : memref<4x128xi32, #tpu.memory_space<vmem>> -> memref<1x128xi32, #tpu.memory_space<vmem>>
      %dma_start3A_85 = tpu.memref_squeeze %dma_start3A_84 : memref<1x128xi32, #tpu.memory_space<vmem>> -> memref<128xi32, #tpu.memory_space<vmem>>
      %dma_start3A_86 = tpu.memref_slice %arg3[%add3A_38] : memref<262144xi32, #tpu.memory_space<hbm>> -> memref<128xi32, #tpu.memory_space<hbm>>
      tpu.enqueue_dma source(%dma_start3A_86 : memref<128xi32, #tpu.memory_space<hbm>>) target(%dma_start3A_85 : memref<128xi32, #tpu.memory_space<vmem>>) target_semaphore(%run_scoped3A_78 : memref<!tpu.dma_semaphore, #tpu.memory_space<semaphore_mem>>)
      %dma_wait3A = arith.constant 0 : i32
      %dma_wait3A_87 = tpu.memref_slice %arg5[%run_scoped3A_39, %dma_wait3A] : memref<4x128xi32, #tpu.memory_space<vmem>> -> memref<1x128xi32, #tpu.memory_space<vmem>>
      %dma_wait3A_88 = tpu.memref_squeeze %dma_wait3A_87 : memref<1x128xi32, #tpu.memory_space<vmem>> -> memref<128xi32, #tpu.memory_space<vmem>>
      %dma_wait3A_89 = tpu.memref_slice %arg3[%add3A_38] : memref<262144xi32, #tpu.memory_space<hbm>> -> memref<128xi32, #tpu.memory_space<hbm>>
      %dma_wait3A_90 = arith.constant 0 : i32
      %dma_wait3A_91 = tpu.memref_slice %arg5[%run_scoped3A_39, %dma_wait3A_90] : memref<4x128xi32, #tpu.memory_space<vmem>> -> memref<1x128xi32, #tpu.memory_space<vmem>>
      %dma_wait3A_92 = tpu.memref_squeeze %dma_wait3A_91 : memref<1x128xi32, #tpu.memory_space<vmem>> -> memref<128xi32, #tpu.memory_space<vmem>>
      %dma_wait3A_93 = tpu.memref_slice %arg3[%add3A_38] : memref<262144xi32, #tpu.memory_space<hbm>> -> memref<128xi32, #tpu.memory_space<hbm>>
      tpu.wait_dma2 semaphore(%run_scoped3A_78 : memref<!tpu.dma_semaphore, #tpu.memory_space<semaphore_mem>>) src(%dma_wait3A_93 : memref<128xi32, #tpu.memory_space<hbm>>) dst(%dma_wait3A_92 : memref<128xi32, #tpu.memory_space<vmem>>)
      tpu.yield
    }) : () -> ()
    %dma_start3A_40 = arith.constant 2 : i32
    %dma_start3A_41 = arith.constant 2 : i32
    %dma_start3A_42 = arith.constant 2 : i32
    %dma_start3A_43 = arith.constant 0 : i32
    %dma_start3A_44 = arith.constant 0 : i32
    %dma_start3A_45 = tpu.memref_slice %arg6[%dma_start3A_41, %dma_start3A_43, %dma_start3A_44] : memref<4x128x128xf32, #tpu.memory_space<vmem>> -> memref<1x128x128xf32, #tpu.memory_space<vmem>>
    %dma_start3A_46 = tpu.memref_squeeze %dma_start3A_45 : memref<1x128x128xf32, #tpu.memory_space<vmem>> -> memref<128x128xf32, #tpu.memory_space<vmem>>
    %dma_start3A_47 = arith.constant 0 : i32
    %dma_start3A_48 = tpu.memref_slice %arg5[%dma_start3A_40, %dma_start3A_47] : memref<4x128xi32, #tpu.memory_space<vmem>> -> memref<1x128xi32, #tpu.memory_space<vmem>>
    %dma_start3A_49 = tpu.memref_squeeze %dma_start3A_48 : memref<1x128xi32, #tpu.memory_space<vmem>> -> memref<128xi32, #tpu.memory_space<vmem>>
    %dma_start3A_50 = arith.constant 0 : i32
    %dma_start3A_51 = arith.constant 0 : i32
    %dma_start3A_52 = tpu.memref_slice %arg2[%dma_start3A_50, %dma_start3A_51] : memref<16384x128xf32, #tpu.memory_space<hbm>> -> memref<16384x128xf32, #tpu.memory_space<hbm>>
    %dma_start3A_53 = tpu.memref_slice %arg7[%dma_start3A_42] : memref<4x!tpu.dma_semaphore, #tpu.memory_space<semaphore_mem>> -> memref<1x!tpu.dma_semaphore, #tpu.memory_space<semaphore_mem>>
    %dma_start3A_54 = tpu.memref_squeeze %dma_start3A_53 : memref<1x!tpu.dma_semaphore, #tpu.memory_space<semaphore_mem>> -> memref<!tpu.dma_semaphore, #tpu.memory_space<semaphore_mem>>
    tpu.enqueue_indirect_dma source(%dma_start3A_52 : memref<16384x128xf32, #tpu.memory_space<hbm>>) target(%dma_start3A_46 : memref<128x128xf32, #tpu.memory_space<vmem>>) offsets(%dma_start3A_49 : memref<128xi32, #tpu.memory_space<vmem>>) semaphore(%dma_start3A_54 : memref<!tpu.dma_semaphore, #tpu.memory_space<semaphore_mem>>)
    %add3A_55 = arith.constant 384 : i32
    %add3A_56 = arith.addi %mul3A_2, %add3A_55 : i32
    %run_scoped3A_57 = arith.constant 3 : i32
    "tpu.region"() ({
      %run_scoped3A_78 = tpu.sem_alloc : memref<!tpu.dma_semaphore, #tpu.memory_space<semaphore_mem>>
      %dma_start3A_79 = arith.constant 0 : i32
      %dma_start3A_80 = tpu.memref_slice %arg5[%run_scoped3A_57, %dma_start3A_79] : memref<4x128xi32, #tpu.memory_space<vmem>> -> memref<1x128xi32, #tpu.memory_space<vmem>>
      %dma_start3A_81 = tpu.memref_squeeze %dma_start3A_80 : memref<1x128xi32, #tpu.memory_space<vmem>> -> memref<128xi32, #tpu.memory_space<vmem>>
      %dma_start3A_82 = tpu.memref_slice %arg3[%add3A_56] : memref<262144xi32, #tpu.memory_space<hbm>> -> memref<128xi32, #tpu.memory_space<hbm>>
      %dma_start3A_83 = arith.constant 0 : i32
      %dma_start3A_84 = tpu.memref_slice %arg5[%run_scoped3A_57, %dma_start3A_83] : memref<4x128xi32, #tpu.memory_space<vmem>> -> memref<1x128xi32, #tpu.memory_space<vmem>>
      %dma_start3A_85 = tpu.memref_squeeze %dma_start3A_84 : memref<1x128xi32, #tpu.memory_space<vmem>> -> memref<128xi32, #tpu.memory_space<vmem>>
      %dma_start3A_86 = tpu.memref_slice %arg3[%add3A_56] : memref<262144xi32, #tpu.memory_space<hbm>> -> memref<128xi32, #tpu.memory_space<hbm>>
      tpu.enqueue_dma source(%dma_start3A_86 : memref<128xi32, #tpu.memory_space<hbm>>) target(%dma_start3A_85 : memref<128xi32, #tpu.memory_space<vmem>>) target_semaphore(%run_scoped3A_78 : memref<!tpu.dma_semaphore, #tpu.memory_space<semaphore_mem>>)
      %dma_wait3A = arith.constant 0 : i32
      %dma_wait3A_87 = tpu.memref_slice %arg5[%run_scoped3A_57, %dma_wait3A] : memref<4x128xi32, #tpu.memory_space<vmem>> -> memref<1x128xi32, #tpu.memory_space<vmem>>
      %dma_wait3A_88 = tpu.memref_squeeze %dma_wait3A_87 : memref<1x128xi32, #tpu.memory_space<vmem>> -> memref<128xi32, #tpu.memory_space<vmem>>
      %dma_wait3A_89 = tpu.memref_slice %arg3[%add3A_56] : memref<262144xi32, #tpu.memory_space<hbm>> -> memref<128xi32, #tpu.memory_space<hbm>>
      %dma_wait3A_90 = arith.constant 0 : i32
      %dma_wait3A_91 = tpu.memref_slice %arg5[%run_scoped3A_57, %dma_wait3A_90] : memref<4x128xi32, #tpu.memory_space<vmem>> -> memref<1x128xi32, #tpu.memory_space<vmem>>
      %dma_wait3A_92 = tpu.memref_squeeze %dma_wait3A_91 : memref<1x128xi32, #tpu.memory_space<vmem>> -> memref<128xi32, #tpu.memory_space<vmem>>
      %dma_wait3A_93 = tpu.memref_slice %arg3[%add3A_56] : memref<262144xi32, #tpu.memory_space<hbm>> -> memref<128xi32, #tpu.memory_space<hbm>>
      tpu.wait_dma2 semaphore(%run_scoped3A_78 : memref<!tpu.dma_semaphore, #tpu.memory_space<semaphore_mem>>) src(%dma_wait3A_93 : memref<128xi32, #tpu.memory_space<hbm>>) dst(%dma_wait3A_92 : memref<128xi32, #tpu.memory_space<vmem>>)
      tpu.yield
    }) : () -> ()
    %dma_start3A_58 = arith.constant 3 : i32
    %dma_start3A_59 = arith.constant 3 : i32
    %dma_start3A_60 = arith.constant 3 : i32
    %dma_start3A_61 = arith.constant 0 : i32
    %dma_start3A_62 = arith.constant 0 : i32
    %dma_start3A_63 = tpu.memref_slice %arg6[%dma_start3A_59, %dma_start3A_61, %dma_start3A_62] : memref<4x128x128xf32, #tpu.memory_space<vmem>> -> memref<1x128x128xf32, #tpu.memory_space<vmem>>
    %dma_start3A_64 = tpu.memref_squeeze %dma_start3A_63 : memref<1x128x128xf32, #tpu.memory_space<vmem>> -> memref<128x128xf32, #tpu.memory_space<vmem>>
    %dma_start3A_65 = arith.constant 0 : i32
    %dma_start3A_66 = tpu.memref_slice %arg5[%dma_start3A_58, %dma_start3A_65] : memref<4x128xi32, #tpu.memory_space<vmem>> -> memref<1x128xi32, #tpu.memory_space<vmem>>
    %dma_start3A_67 = tpu.memref_squeeze %dma_start3A_66 : memref<1x128xi32, #tpu.memory_space<vmem>> -> memref<128xi32, #tpu.memory_space<vmem>>
    %dma_start3A_68 = arith.constant 0 : i32
    %dma_start3A_69 = arith.constant 0 : i32
    %dma_start3A_70 = tpu.memref_slice %arg2[%dma_start3A_68, %dma_start3A_69] : memref<16384x128xf32, #tpu.memory_space<hbm>> -> memref<16384x128xf32, #tpu.memory_space<hbm>>
    %dma_start3A_71 = tpu.memref_slice %arg7[%dma_start3A_60] : memref<4x!tpu.dma_semaphore, #tpu.memory_space<semaphore_mem>> -> memref<1x!tpu.dma_semaphore, #tpu.memory_space<semaphore_mem>>
    %dma_start3A_72 = tpu.memref_squeeze %dma_start3A_71 : memref<1x!tpu.dma_semaphore, #tpu.memory_space<semaphore_mem>> -> memref<!tpu.dma_semaphore, #tpu.memory_space<semaphore_mem>>
    tpu.enqueue_indirect_dma source(%dma_start3A_70 : memref<16384x128xf32, #tpu.memory_space<hbm>>) target(%dma_start3A_64 : memref<128x128xf32, #tpu.memory_space<vmem>>) offsets(%dma_start3A_67 : memref<128xi32, #tpu.memory_space<vmem>>) semaphore(%dma_start3A_72 : memref<!tpu.dma_semaphore, #tpu.memory_space<semaphore_mem>>)
    %scan3A = arith.constant 0 : i32
    %scan3A_73 = arith.constant 0 : i32
    %scan3A_74 = arith.constant 16 : i32
    %scan3A_75 = arith.addi %scan3A_73, %scan3A_74 : i32
    %scan3A_76 = arith.constant 1 : i32
    scf.for %scan3A_78 = %scan3A_73 to %scan3A_75 step %scan3A_76  : i32 {
      %mul3A_79 = arith.constant 4 : i32
      %mul3A_80 = arith.muli %scan3A_78, %mul3A_79 : i32
      %add3A_81 = arith.constant 0 : i32
      %add3A_82 = arith.addi %mul3A_80, %add3A_81 : i32
      %dma_wait3A = arith.constant 0 : i32
      %dma_wait3A_83 = arith.constant 0 : i32
      %dma_wait3A_84 = arith.constant 0 : i32
      %dma_wait3A_85 = arith.constant 0 : i32
      %dma_wait3A_86 = arith.constant 0 : i32
      %dma_wait3A_87 = tpu.memref_slice %arg6[%dma_wait3A_83, %dma_wait3A_85, %dma_wait3A_86] : memref<4x128x128xf32, #tpu.memory_space<vmem>> -> memref<1x128x128xf32, #tpu.memory_space<vmem>>
      %dma_wait3A_88 = tpu.memref_squeeze %dma_wait3A_87 : memref<1x128x128xf32, #tpu.memory_space<vmem>> -> memref<128x128xf32, #tpu.memory_space<vmem>>
      %dma_wait3A_89 = arith.constant 0 : i32
      %dma_wait3A_90 = tpu.memref_slice %arg5[%dma_wait3A, %dma_wait3A_89] : memref<4x128xi32, #tpu.memory_space<vmem>> -> memref<1x128xi32, #tpu.memory_space<vmem>>
      %dma_wait3A_91 = tpu.memref_squeeze %dma_wait3A_90 : memref<1x128xi32, #tpu.memory_space<vmem>> -> memref<128xi32, #tpu.memory_space<vmem>>
      %dma_wait3A_92 = arith.constant 0 : i32
      %dma_wait3A_93 = arith.constant 0 : i32
      %dma_wait3A_94 = tpu.memref_slice %arg2[%dma_wait3A_92, %dma_wait3A_93] : memref<16384x128xf32, #tpu.memory_space<hbm>> -> memref<16384x128xf32, #tpu.memory_space<hbm>>
      %dma_wait3A_95 = tpu.memref_slice %arg7[%dma_wait3A_84] : memref<4x!tpu.dma_semaphore, #tpu.memory_space<semaphore_mem>> -> memref<1x!tpu.dma_semaphore, #tpu.memory_space<semaphore_mem>>
      %dma_wait3A_96 = tpu.memref_squeeze %dma_wait3A_95 : memref<1x!tpu.dma_semaphore, #tpu.memory_space<semaphore_mem>> -> memref<!tpu.dma_semaphore, #tpu.memory_space<semaphore_mem>>
      tpu.wait_indirect_dma semaphore(%dma_wait3A_96 : memref<!tpu.dma_semaphore, #tpu.memory_space<semaphore_mem>>) src(%dma_wait3A_94 : memref<16384x128xf32, #tpu.memory_space<hbm>>) dst(%dma_wait3A_88 : memref<128x128xf32, #tpu.memory_space<vmem>>)
      %mul3A_97 = arith.constant 128 : i32
      %mul3A_98 = arith.muli %add3A_82, %mul3A_97 : i32
      %add3A_99 = arith.addi %mul3A_2, %mul3A_98 : i32
      %run_scoped3A_100 = arith.constant 0 : i32
      "tpu.region"() ({
        %run_scoped3A_187 = tpu.sem_alloc : memref<!tpu.dma_semaphore, #tpu.memory_space<semaphore_mem>>
        %dma_start3A_188 = arith.constant 0 : i32
        %dma_start3A_189 = arith.constant 0 : i32
        %dma_start3A_190 = tpu.memref_slice %arg6[%run_scoped3A_100, %dma_start3A_188, %dma_start3A_189] : memref<4x128x128xf32, #tpu.memory_space<vmem>> -> memref<1x128x128xf32, #tpu.memory_space<vmem>>
        %dma_start3A_191 = tpu.memref_squeeze %dma_start3A_190 : memref<1x128x128xf32, #tpu.memory_space<vmem>> -> memref<128x128xf32, #tpu.memory_space<vmem>>
        %dma_start3A_192 = arith.constant 0 : i32
        %dma_start3A_193 = tpu.memref_slice %arg4[%add3A_99, %dma_start3A_192] : memref<262144x128xf32, #tpu.memory_space<hbm>> -> memref<128x128xf32, #tpu.memory_space<hbm>>
        %dma_start3A_194 = arith.constant 0 : i32
        %dma_start3A_195 = tpu.memref_slice %arg4[%add3A_99, %dma_start3A_194] : memref<262144x128xf32, #tpu.memory_space<hbm>> -> memref<128x128xf32, #tpu.memory_space<hbm>>
        %dma_start3A_196 = arith.constant 0 : i32
        %dma_start3A_197 = arith.constant 0 : i32
        %dma_start3A_198 = tpu.memref_slice %arg6[%run_scoped3A_100, %dma_start3A_196, %dma_start3A_197] : memref<4x128x128xf32, #tpu.memory_space<vmem>> -> memref<1x128x128xf32, #tpu.memory_space<vmem>>
        %dma_start3A_199 = tpu.memref_squeeze %dma_start3A_198 : memref<1x128x128xf32, #tpu.memory_space<vmem>> -> memref<128x128xf32, #tpu.memory_space<vmem>>
        tpu.enqueue_dma source(%dma_start3A_199 : memref<128x128xf32, #tpu.memory_space<vmem>>) target(%dma_start3A_195 : memref<128x128xf32, #tpu.memory_space<hbm>>) target_semaphore(%run_scoped3A_187 : memref<!tpu.dma_semaphore, #tpu.memory_space<semaphore_mem>>)
        %dma_wait3A_200 = arith.constant 0 : i32
        %dma_wait3A_201 = arith.constant 0 : i32
        %dma_wait3A_202 = tpu.memref_slice %arg6[%run_scoped3A_100, %dma_wait3A_200, %dma_wait3A_201] : memref<4x128x128xf32, #tpu.memory_space<vmem>> -> memref<1x128x128xf32, #tpu.memory_space<vmem>>
        %dma_wait3A_203 = tpu.memref_squeeze %dma_wait3A_202 : memref<1x128x128xf32, #tpu.memory_space<vmem>> -> memref<128x128xf32, #tpu.memory_space<vmem>>
        %dma_wait3A_204 = arith.constant 0 : i32
        %dma_wait3A_205 = tpu.memref_slice %arg4[%add3A_99, %dma_wait3A_204] : memref<262144x128xf32, #tpu.memory_space<hbm>> -> memref<128x128xf32, #tpu.memory_space<hbm>>
        %dma_wait3A_206 = arith.constant 0 : i32
        %dma_wait3A_207 = tpu.memref_slice %arg4[%add3A_99, %dma_wait3A_206] : memref<262144x128xf32, #tpu.memory_space<hbm>> -> memref<128x128xf32, #tpu.memory_space<hbm>>
        %dma_wait3A_208 = arith.constant 0 : i32
        %dma_wait3A_209 = arith.constant 0 : i32
        %dma_wait3A_210 = tpu.memref_slice %arg6[%run_scoped3A_100, %dma_wait3A_208, %dma_wait3A_209] : memref<4x128x128xf32, #tpu.memory_space<vmem>> -> memref<1x128x128xf32, #tpu.memory_space<vmem>>
        %dma_wait3A_211 = tpu.memref_squeeze %dma_wait3A_210 : memref<1x128x128xf32, #tpu.memory_space<vmem>> -> memref<128x128xf32, #tpu.memory_space<vmem>>
        tpu.wait_dma2 semaphore(%run_scoped3A_187 : memref<!tpu.dma_semaphore, #tpu.memory_space<semaphore_mem>>) src(%dma_wait3A_211 : memref<128x128xf32, #tpu.memory_space<vmem>>) dst(%dma_wait3A_207 : memref<128x128xf32, #tpu.memory_space<hbm>>)
        tpu.yield
      }) : () -> ()
      %lt3A = arith.constant 15 : i32
      %lt3A_101 = arith.cmpi slt, %scan3A_78, %lt3A : i32
      %convert_element_type3A = arith.extui %lt3A_101 : i1 to i32
      %cond3A = arith.constant 0 : i32
      %cond3A_102 = arith.cmpi ne, %convert_element_type3A, %cond3A : i32
      scf.if %cond3A_102 {
        %add3A_187 = arith.constant 4 : i32
        %add3A_188 = arith.addi %add3A_82, %add3A_187 : i32
        %mul3A_189 = arith.constant 128 : i32
        %mul3A_190 = arith.muli %add3A_188, %mul3A_189 : i32
        %add3A_191 = arith.addi %mul3A_2, %mul3A_190 : i32
        %run_scoped3A_192 = arith.constant 0 : i32
        "tpu.region"() ({
          %run_scoped3A_208 = tpu.sem_alloc : memref<!tpu.dma_semaphore, #tpu.memory_space<semaphore_mem>>
          %dma_start3A_209 = arith.constant 0 : i32
          %dma_start3A_210 = tpu.memref_slice %arg5[%run_scoped3A_192, %dma_start3A_209] : memref<4x128xi32, #tpu.memory_space<vmem>> -> memref<1x128xi32, #tpu.memory_space<vmem>>
          %dma_start3A_211 = tpu.memref_squeeze %dma_start3A_210 : memref<1x128xi32, #tpu.memory_space<vmem>> -> memref<128xi32, #tpu.memory_space<vmem>>
          %dma_start3A_212 = tpu.memref_slice %arg3[%add3A_191] : memref<262144xi32, #tpu.memory_space<hbm>> -> memref<128xi32, #tpu.memory_space<hbm>>
          %dma_start3A_213 = arith.constant 0 : i32
          %dma_start3A_214 = tpu.memref_slice %arg5[%run_scoped3A_192, %dma_start3A_213] : memref<4x128xi32, #tpu.memory_space<vmem>> -> memref<1x128xi32, #tpu.memory_space<vmem>>
          %dma_start3A_215 = tpu.memref_squeeze %dma_start3A_214 : memref<1x128xi32, #tpu.memory_space<vmem>> -> memref<128xi32, #tpu.memory_space<vmem>>
          %dma_start3A_216 = tpu.memref_slice %arg3[%add3A_191] : memref<262144xi32, #tpu.memory_space<hbm>> -> memref<128xi32, #tpu.memory_space<hbm>>
          tpu.enqueue_dma source(%dma_start3A_216 : memref<128xi32, #tpu.memory_space<hbm>>) target(%dma_start3A_215 : memref<128xi32, #tpu.memory_space<vmem>>) target_semaphore(%run_scoped3A_208 : memref<!tpu.dma_semaphore, #tpu.memory_space<semaphore_mem>>)
          %dma_wait3A_217 = arith.constant 0 : i32
          %dma_wait3A_218 = tpu.memref_slice %arg5[%run_scoped3A_192, %dma_wait3A_217] : memref<4x128xi32, #tpu.memory_space<vmem>> -> memref<1x128xi32, #tpu.memory_space<vmem>>
          %dma_wait3A_219 = tpu.memref_squeeze %dma_wait3A_218 : memref<1x128xi32, #tpu.memory_space<vmem>> -> memref<128xi32, #tpu.memory_space<vmem>>
          %dma_wait3A_220 = tpu.memref_slice %arg3[%add3A_191] : memref<262144xi32, #tpu.memory_space<hbm>> -> memref<128xi32, #tpu.memory_space<hbm>>
          %dma_wait3A_221 = arith.constant 0 : i32
          %dma_wait3A_222 = tpu.memref_slice %arg5[%run_scoped3A_192, %dma_wait3A_221] : memref<4x128xi32, #tpu.memory_space<vmem>> -> memref<1x128xi32, #tpu.memory_space<vmem>>
          %dma_wait3A_223 = tpu.memref_squeeze %dma_wait3A_222 : memref<1x128xi32, #tpu.memory_space<vmem>> -> memref<128xi32, #tpu.memory_space<vmem>>
          %dma_wait3A_224 = tpu.memref_slice %arg3[%add3A_191] : memref<262144xi32, #tpu.memory_space<hbm>> -> memref<128xi32, #tpu.memory_space<hbm>>
          tpu.wait_dma2 semaphore(%run_scoped3A_208 : memref<!tpu.dma_semaphore, #tpu.memory_space<semaphore_mem>>) src(%dma_wait3A_224 : memref<128xi32, #tpu.memory_space<hbm>>) dst(%dma_wait3A_223 : memref<128xi32, #tpu.memory_space<vmem>>)
          tpu.yield
        }) : () -> ()
        %dma_start3A_193 = arith.constant 0 : i32
        %dma_start3A_194 = arith.constant 0 : i32
        %dma_start3A_195 = arith.constant 0 : i32
        %dma_start3A_196 = arith.constant 0 : i32
        %dma_start3A_197 = arith.constant 0 : i32
        %dma_start3A_198 = tpu.memref_slice %arg6[%dma_start3A_194, %dma_start3A_196, %dma_start3A_197] : memref<4x128x128xf32, #tpu.memory_space<vmem>> -> memref<1x128x128xf32, #tpu.memory_space<vmem>>
        %dma_start3A_199 = tpu.memref_squeeze %dma_start3A_198 : memref<1x128x128xf32, #tpu.memory_space<vmem>> -> memref<128x128xf32, #tpu.memory_space<vmem>>
        %dma_start3A_200 = arith.constant 0 : i32
        %dma_start3A_201 = tpu.memref_slice %arg5[%dma_start3A_193, %dma_start3A_200] : memref<4x128xi32, #tpu.memory_space<vmem>> -> memref<1x128xi32, #tpu.memory_space<vmem>>
        %dma_start3A_202 = tpu.memref_squeeze %dma_start3A_201 : memref<1x128xi32, #tpu.memory_space<vmem>> -> memref<128xi32, #tpu.memory_space<vmem>>
        %dma_start3A_203 = arith.constant 0 : i32
        %dma_start3A_204 = arith.constant 0 : i32
        %dma_start3A_205 = tpu.memref_slice %arg2[%dma_start3A_203, %dma_start3A_204] : memref<16384x128xf32, #tpu.memory_space<hbm>> -> memref<16384x128xf32, #tpu.memory_space<hbm>>
        %dma_start3A_206 = tpu.memref_slice %arg7[%dma_start3A_195] : memref<4x!tpu.dma_semaphore, #tpu.memory_space<semaphore_mem>> -> memref<1x!tpu.dma_semaphore, #tpu.memory_space<semaphore_mem>>
        %dma_start3A_207 = tpu.memref_squeeze %dma_start3A_206 : memref<1x!tpu.dma_semaphore, #tpu.memory_space<semaphore_mem>> -> memref<!tpu.dma_semaphore, #tpu.memory_space<semaphore_mem>>
        tpu.enqueue_indirect_dma source(%dma_start3A_205 : memref<16384x128xf32, #tpu.memory_space<hbm>>) target(%dma_start3A_199 : memref<128x128xf32, #tpu.memory_space<vmem>>) offsets(%dma_start3A_202 : memref<128xi32, #tpu.memory_space<vmem>>) semaphore(%dma_start3A_207 : memref<!tpu.dma_semaphore, #tpu.memory_space<semaphore_mem>>)
      } else {
      }
      %mul3A_103 = arith.constant 4 : i32
      %mul3A_104 = arith.muli %scan3A_78, %mul3A_103 : i32
      %add3A_105 = arith.constant 1 : i32
      %add3A_106 = arith.addi %mul3A_104, %add3A_105 : i32
      %dma_wait3A_107 = arith.constant 1 : i32
      %dma_wait3A_108 = arith.constant 1 : i32
      %dma_wait3A_109 = arith.constant 1 : i32
      %dma_wait3A_110 = arith.constant 0 : i32
      %dma_wait3A_111 = arith.constant 0 : i32
      %dma_wait3A_112 = tpu.memref_slice %arg6[%dma_wait3A_108, %dma_wait3A_110, %dma_wait3A_111] : memref<4x128x128xf32, #tpu.memory_space<vmem>> -> memref<1x128x128xf32, #tpu.memory_space<vmem>>
      %dma_wait3A_113 = tpu.memref_squeeze %dma_wait3A_112 : memref<1x128x128xf32, #tpu.memory_space<vmem>> -> memref<128x128xf32, #tpu.memory_space<vmem>>
      %dma_wait3A_114 = arith.constant 0 : i32
      %dma_wait3A_115 = tpu.memref_slice %arg5[%dma_wait3A_107, %dma_wait3A_114] : memref<4x128xi32, #tpu.memory_space<vmem>> -> memref<1x128xi32, #tpu.memory_space<vmem>>
      %dma_wait3A_116 = tpu.memref_squeeze %dma_wait3A_115 : memref<1x128xi32, #tpu.memory_space<vmem>> -> memref<128xi32, #tpu.memory_space<vmem>>
      %dma_wait3A_117 = arith.constant 0 : i32
      %dma_wait3A_118 = arith.constant 0 : i32
      %dma_wait3A_119 = tpu.memref_slice %arg2[%dma_wait3A_117, %dma_wait3A_118] : memref<16384x128xf32, #tpu.memory_space<hbm>> -> memref<16384x128xf32, #tpu.memory_space<hbm>>
      %dma_wait3A_120 = tpu.memref_slice %arg7[%dma_wait3A_109] : memref<4x!tpu.dma_semaphore, #tpu.memory_space<semaphore_mem>> -> memref<1x!tpu.dma_semaphore, #tpu.memory_space<semaphore_mem>>
      %dma_wait3A_121 = tpu.memref_squeeze %dma_wait3A_120 : memref<1x!tpu.dma_semaphore, #tpu.memory_space<semaphore_mem>> -> memref<!tpu.dma_semaphore, #tpu.memory_space<semaphore_mem>>
      tpu.wait_indirect_dma semaphore(%dma_wait3A_121 : memref<!tpu.dma_semaphore, #tpu.memory_space<semaphore_mem>>) src(%dma_wait3A_119 : memref<16384x128xf32, #tpu.memory_space<hbm>>) dst(%dma_wait3A_113 : memref<128x128xf32, #tpu.memory_space<vmem>>)
      %mul3A_122 = arith.constant 128 : i32
      %mul3A_123 = arith.muli %add3A_106, %mul3A_122 : i32
      %add3A_124 = arith.addi %mul3A_2, %mul3A_123 : i32
      %run_scoped3A_125 = arith.constant 1 : i32
      "tpu.region"() ({
        %run_scoped3A_187 = tpu.sem_alloc : memref<!tpu.dma_semaphore, #tpu.memory_space<semaphore_mem>>
        %dma_start3A_188 = arith.constant 0 : i32
        %dma_start3A_189 = arith.constant 0 : i32
        %dma_start3A_190 = tpu.memref_slice %arg6[%run_scoped3A_125, %dma_start3A_188, %dma_start3A_189] : memref<4x128x128xf32, #tpu.memory_space<vmem>> -> memref<1x128x128xf32, #tpu.memory_space<vmem>>
        %dma_start3A_191 = tpu.memref_squeeze %dma_start3A_190 : memref<1x128x128xf32, #tpu.memory_space<vmem>> -> memref<128x128xf32, #tpu.memory_space<vmem>>
        %dma_start3A_192 = arith.constant 0 : i32
        %dma_start3A_193 = tpu.memref_slice %arg4[%add3A_124, %dma_start3A_192] : memref<262144x128xf32, #tpu.memory_space<hbm>> -> memref<128x128xf32, #tpu.memory_space<hbm>>
        %dma_start3A_194 = arith.constant 0 : i32
        %dma_start3A_195 = tpu.memref_slice %arg4[%add3A_124, %dma_start3A_194] : memref<262144x128xf32, #tpu.memory_space<hbm>> -> memref<128x128xf32, #tpu.memory_space<hbm>>
        %dma_start3A_196 = arith.constant 0 : i32
        %dma_start3A_197 = arith.constant 0 : i32
        %dma_start3A_198 = tpu.memref_slice %arg6[%run_scoped3A_125, %dma_start3A_196, %dma_start3A_197] : memref<4x128x128xf32, #tpu.memory_space<vmem>> -> memref<1x128x128xf32, #tpu.memory_space<vmem>>
        %dma_start3A_199 = tpu.memref_squeeze %dma_start3A_198 : memref<1x128x128xf32, #tpu.memory_space<vmem>> -> memref<128x128xf32, #tpu.memory_space<vmem>>
        tpu.enqueue_dma source(%dma_start3A_199 : memref<128x128xf32, #tpu.memory_space<vmem>>) target(%dma_start3A_195 : memref<128x128xf32, #tpu.memory_space<hbm>>) target_semaphore(%run_scoped3A_187 : memref<!tpu.dma_semaphore, #tpu.memory_space<semaphore_mem>>)
        %dma_wait3A_200 = arith.constant 0 : i32
        %dma_wait3A_201 = arith.constant 0 : i32
        %dma_wait3A_202 = tpu.memref_slice %arg6[%run_scoped3A_125, %dma_wait3A_200, %dma_wait3A_201] : memref<4x128x128xf32, #tpu.memory_space<vmem>> -> memref<1x128x128xf32, #tpu.memory_space<vmem>>
        %dma_wait3A_203 = tpu.memref_squeeze %dma_wait3A_202 : memref<1x128x128xf32, #tpu.memory_space<vmem>> -> memref<128x128xf32, #tpu.memory_space<vmem>>
        %dma_wait3A_204 = arith.constant 0 : i32
        %dma_wait3A_205 = tpu.memref_slice %arg4[%add3A_124, %dma_wait3A_204] : memref<262144x128xf32, #tpu.memory_space<hbm>> -> memref<128x128xf32, #tpu.memory_space<hbm>>
        %dma_wait3A_206 = arith.constant 0 : i32
        %dma_wait3A_207 = tpu.memref_slice %arg4[%add3A_124, %dma_wait3A_206] : memref<262144x128xf32, #tpu.memory_space<hbm>> -> memref<128x128xf32, #tpu.memory_space<hbm>>
        %dma_wait3A_208 = arith.constant 0 : i32
        %dma_wait3A_209 = arith.constant 0 : i32
        %dma_wait3A_210 = tpu.memref_slice %arg6[%run_scoped3A_125, %dma_wait3A_208, %dma_wait3A_209] : memref<4x128x128xf32, #tpu.memory_space<vmem>> -> memref<1x128x128xf32, #tpu.memory_space<vmem>>
        %dma_wait3A_211 = tpu.memref_squeeze %dma_wait3A_210 : memref<1x128x128xf32, #tpu.memory_space<vmem>> -> memref<128x128xf32, #tpu.memory_space<vmem>>
        tpu.wait_dma2 semaphore(%run_scoped3A_187 : memref<!tpu.dma_semaphore, #tpu.memory_space<semaphore_mem>>) src(%dma_wait3A_211 : memref<128x128xf32, #tpu.memory_space<vmem>>) dst(%dma_wait3A_207 : memref<128x128xf32, #tpu.memory_space<hbm>>)
        tpu.yield
      }) : () -> ()
      %lt3A_126 = arith.constant 15 : i32
      %lt3A_127 = arith.cmpi slt, %scan3A_78, %lt3A_126 : i32
      %convert_element_type3A_128 = arith.extui %lt3A_127 : i1 to i32
      %cond3A_129 = arith.constant 0 : i32
      %cond3A_130 = arith.cmpi ne, %convert_element_type3A_128, %cond3A_129 : i32
      scf.if %cond3A_130 {
        %add3A_187 = arith.constant 4 : i32
        %add3A_188 = arith.addi %add3A_106, %add3A_187 : i32
        %mul3A_189 = arith.constant 128 : i32
        %mul3A_190 = arith.muli %add3A_188, %mul3A_189 : i32
        %add3A_191 = arith.addi %mul3A_2, %mul3A_190 : i32
        %run_scoped3A_192 = arith.constant 1 : i32
        "tpu.region"() ({
          %run_scoped3A_208 = tpu.sem_alloc : memref<!tpu.dma_semaphore, #tpu.memory_space<semaphore_mem>>
          %dma_start3A_209 = arith.constant 0 : i32
          %dma_start3A_210 = tpu.memref_slice %arg5[%run_scoped3A_192, %dma_start3A_209] : memref<4x128xi32, #tpu.memory_space<vmem>> -> memref<1x128xi32, #tpu.memory_space<vmem>>
          %dma_start3A_211 = tpu.memref_squeeze %dma_start3A_210 : memref<1x128xi32, #tpu.memory_space<vmem>> -> memref<128xi32, #tpu.memory_space<vmem>>
          %dma_start3A_212 = tpu.memref_slice %arg3[%add3A_191] : memref<262144xi32, #tpu.memory_space<hbm>> -> memref<128xi32, #tpu.memory_space<hbm>>
          %dma_start3A_213 = arith.constant 0 : i32
          %dma_start3A_214 = tpu.memref_slice %arg5[%run_scoped3A_192, %dma_start3A_213] : memref<4x128xi32, #tpu.memory_space<vmem>> -> memref<1x128xi32, #tpu.memory_space<vmem>>
          %dma_start3A_215 = tpu.memref_squeeze %dma_start3A_214 : memref<1x128xi32, #tpu.memory_space<vmem>> -> memref<128xi32, #tpu.memory_space<vmem>>
          %dma_start3A_216 = tpu.memref_slice %arg3[%add3A_191] : memref<262144xi32, #tpu.memory_space<hbm>> -> memref<128xi32, #tpu.memory_space<hbm>>
          tpu.enqueue_dma source(%dma_start3A_216 : memref<128xi32, #tpu.memory_space<hbm>>) target(%dma_start3A_215 : memref<128xi32, #tpu.memory_space<vmem>>) target_semaphore(%run_scoped3A_208 : memref<!tpu.dma_semaphore, #tpu.memory_space<semaphore_mem>>)
          %dma_wait3A_217 = arith.constant 0 : i32
          %dma_wait3A_218 = tpu.memref_slice %arg5[%run_scoped3A_192, %dma_wait3A_217] : memref<4x128xi32, #tpu.memory_space<vmem>> -> memref<1x128xi32, #tpu.memory_space<vmem>>
          %dma_wait3A_219 = tpu.memref_squeeze %dma_wait3A_218 : memref<1x128xi32, #tpu.memory_space<vmem>> -> memref<128xi32, #tpu.memory_space<vmem>>
          %dma_wait3A_220 = tpu.memref_slice %arg3[%add3A_191] : memref<262144xi32, #tpu.memory_space<hbm>> -> memref<128xi32, #tpu.memory_space<hbm>>
          %dma_wait3A_221 = arith.constant 0 : i32
          %dma_wait3A_222 = tpu.memref_slice %arg5[%run_scoped3A_192, %dma_wait3A_221] : memref<4x128xi32, #tpu.memory_space<vmem>> -> memref<1x128xi32, #tpu.memory_space<vmem>>
          %dma_wait3A_223 = tpu.memref_squeeze %dma_wait3A_222 : memref<1x128xi32, #tpu.memory_space<vmem>> -> memref<128xi32, #tpu.memory_space<vmem>>
          %dma_wait3A_224 = tpu.memref_slice %arg3[%add3A_191] : memref<262144xi32, #tpu.memory_space<hbm>> -> memref<128xi32, #tpu.memory_space<hbm>>
          tpu.wait_dma2 semaphore(%run_scoped3A_208 : memref<!tpu.dma_semaphore, #tpu.memory_space<semaphore_mem>>) src(%dma_wait3A_224 : memref<128xi32, #tpu.memory_space<hbm>>) dst(%dma_wait3A_223 : memref<128xi32, #tpu.memory_space<vmem>>)
          tpu.yield
        }) : () -> ()
        %dma_start3A_193 = arith.constant 1 : i32
        %dma_start3A_194 = arith.constant 1 : i32
        %dma_start3A_195 = arith.constant 1 : i32
        %dma_start3A_196 = arith.constant 0 : i32
        %dma_start3A_197 = arith.constant 0 : i32
        %dma_start3A_198 = tpu.memref_slice %arg6[%dma_start3A_194, %dma_start3A_196, %dma_start3A_197] : memref<4x128x128xf32, #tpu.memory_space<vmem>> -> memref<1x128x128xf32, #tpu.memory_space<vmem>>
        %dma_start3A_199 = tpu.memref_squeeze %dma_start3A_198 : memref<1x128x128xf32, #tpu.memory_space<vmem>> -> memref<128x128xf32, #tpu.memory_space<vmem>>
        %dma_start3A_200 = arith.constant 0 : i32
        %dma_start3A_201 = tpu.memref_slice %arg5[%dma_start3A_193, %dma_start3A_200] : memref<4x128xi32, #tpu.memory_space<vmem>> -> memref<1x128xi32, #tpu.memory_space<vmem>>
        %dma_start3A_202 = tpu.memref_squeeze %dma_start3A_201 : memref<1x128xi32, #tpu.memory_space<vmem>> -> memref<128xi32, #tpu.memory_space<vmem>>
        %dma_start3A_203 = arith.constant 0 : i32
        %dma_start3A_204 = arith.constant 0 : i32
        %dma_start3A_205 = tpu.memref_slice %arg2[%dma_start3A_203, %dma_start3A_204] : memref<16384x128xf32, #tpu.memory_space<hbm>> -> memref<16384x128xf32, #tpu.memory_space<hbm>>
        %dma_start3A_206 = tpu.memref_slice %arg7[%dma_start3A_195] : memref<4x!tpu.dma_semaphore, #tpu.memory_space<semaphore_mem>> -> memref<1x!tpu.dma_semaphore, #tpu.memory_space<semaphore_mem>>
        %dma_start3A_207 = tpu.memref_squeeze %dma_start3A_206 : memref<1x!tpu.dma_semaphore, #tpu.memory_space<semaphore_mem>> -> memref<!tpu.dma_semaphore, #tpu.memory_space<semaphore_mem>>
        tpu.enqueue_indirect_dma source(%dma_start3A_205 : memref<16384x128xf32, #tpu.memory_space<hbm>>) target(%dma_start3A_199 : memref<128x128xf32, #tpu.memory_space<vmem>>) offsets(%dma_start3A_202 : memref<128xi32, #tpu.memory_space<vmem>>) semaphore(%dma_start3A_207 : memref<!tpu.dma_semaphore, #tpu.memory_space<semaphore_mem>>)
      } else {
      }
      %mul3A_131 = arith.constant 4 : i32
      %mul3A_132 = arith.muli %scan3A_78, %mul3A_131 : i32
      %add3A_133 = arith.constant 2 : i32
      %add3A_134 = arith.addi %mul3A_132, %add3A_133 : i32
      %dma_wait3A_135 = arith.constant 2 : i32
      %dma_wait3A_136 = arith.constant 2 : i32
      %dma_wait3A_137 = arith.constant 2 : i32
      %dma_wait3A_138 = arith.constant 0 : i32
      %dma_wait3A_139 = arith.constant 0 : i32
      %dma_wait3A_140 = tpu.memref_slice %arg6[%dma_wait3A_136, %dma_wait3A_138, %dma_wait3A_139] : memref<4x128x128xf32, #tpu.memory_space<vmem>> -> memref<1x128x128xf32, #tpu.memory_space<vmem>>
      %dma_wait3A_141 = tpu.memref_squeeze %dma_wait3A_140 : memref<1x128x128xf32, #tpu.memory_space<vmem>> -> memref<128x128xf32, #tpu.memory_space<vmem>>
      %dma_wait3A_142 = arith.constant 0 : i32
      %dma_wait3A_143 = tpu.memref_slice %arg5[%dma_wait3A_135, %dma_wait3A_142] : memref<4x128xi32, #tpu.memory_space<vmem>> -> memref<1x128xi32, #tpu.memory_space<vmem>>
      %dma_wait3A_144 = tpu.memref_squeeze %dma_wait3A_143 : memref<1x128xi32, #tpu.memory_space<vmem>> -> memref<128xi32, #tpu.memory_space<vmem>>
      %dma_wait3A_145 = arith.constant 0 : i32
      %dma_wait3A_146 = arith.constant 0 : i32
      %dma_wait3A_147 = tpu.memref_slice %arg2[%dma_wait3A_145, %dma_wait3A_146] : memref<16384x128xf32, #tpu.memory_space<hbm>> -> memref<16384x128xf32, #tpu.memory_space<hbm>>
      %dma_wait3A_148 = tpu.memref_slice %arg7[%dma_wait3A_137] : memref<4x!tpu.dma_semaphore, #tpu.memory_space<semaphore_mem>> -> memref<1x!tpu.dma_semaphore, #tpu.memory_space<semaphore_mem>>
      %dma_wait3A_149 = tpu.memref_squeeze %dma_wait3A_148 : memref<1x!tpu.dma_semaphore, #tpu.memory_space<semaphore_mem>> -> memref<!tpu.dma_semaphore, #tpu.memory_space<semaphore_mem>>
      tpu.wait_indirect_dma semaphore(%dma_wait3A_149 : memref<!tpu.dma_semaphore, #tpu.memory_space<semaphore_mem>>) src(%dma_wait3A_147 : memref<16384x128xf32, #tpu.memory_space<hbm>>) dst(%dma_wait3A_141 : memref<128x128xf32, #tpu.memory_space<vmem>>)
      %mul3A_150 = arith.constant 128 : i32
      %mul3A_151 = arith.muli %add3A_134, %mul3A_150 : i32
      %add3A_152 = arith.addi %mul3A_2, %mul3A_151 : i32
      %run_scoped3A_153 = arith.constant 2 : i32
      "tpu.region"() ({
        %run_scoped3A_187 = tpu.sem_alloc : memref<!tpu.dma_semaphore, #tpu.memory_space<semaphore_mem>>
        %dma_start3A_188 = arith.constant 0 : i32
        %dma_start3A_189 = arith.constant 0 : i32
        %dma_start3A_190 = tpu.memref_slice %arg6[%run_scoped3A_153, %dma_start3A_188, %dma_start3A_189] : memref<4x128x128xf32, #tpu.memory_space<vmem>> -> memref<1x128x128xf32, #tpu.memory_space<vmem>>
        %dma_start3A_191 = tpu.memref_squeeze %dma_start3A_190 : memref<1x128x128xf32, #tpu.memory_space<vmem>> -> memref<128x128xf32, #tpu.memory_space<vmem>>
        %dma_start3A_192 = arith.constant 0 : i32
        %dma_start3A_193 = tpu.memref_slice %arg4[%add3A_152, %dma_start3A_192] : memref<262144x128xf32, #tpu.memory_space<hbm>> -> memref<128x128xf32, #tpu.memory_space<hbm>>
        %dma_start3A_194 = arith.constant 0 : i32
        %dma_start3A_195 = tpu.memref_slice %arg4[%add3A_152, %dma_start3A_194] : memref<262144x128xf32, #tpu.memory_space<hbm>> -> memref<128x128xf32, #tpu.memory_space<hbm>>
        %dma_start3A_196 = arith.constant 0 : i32
        %dma_start3A_197 = arith.constant 0 : i32
        %dma_start3A_198 = tpu.memref_slice %arg6[%run_scoped3A_153, %dma_start3A_196, %dma_start3A_197] : memref<4x128x128xf32, #tpu.memory_space<vmem>> -> memref<1x128x128xf32, #tpu.memory_space<vmem>>
        %dma_start3A_199 = tpu.memref_squeeze %dma_start3A_198 : memref<1x128x128xf32, #tpu.memory_space<vmem>> -> memref<128x128xf32, #tpu.memory_space<vmem>>
        tpu.enqueue_dma source(%dma_start3A_199 : memref<128x128xf32, #tpu.memory_space<vmem>>) target(%dma_start3A_195 : memref<128x128xf32, #tpu.memory_space<hbm>>) target_semaphore(%run_scoped3A_187 : memref<!tpu.dma_semaphore, #tpu.memory_space<semaphore_mem>>)
        %dma_wait3A_200 = arith.constant 0 : i32
        %dma_wait3A_201 = arith.constant 0 : i32
        %dma_wait3A_202 = tpu.memref_slice %arg6[%run_scoped3A_153, %dma_wait3A_200, %dma_wait3A_201] : memref<4x128x128xf32, #tpu.memory_space<vmem>> -> memref<1x128x128xf32, #tpu.memory_space<vmem>>
        %dma_wait3A_203 = tpu.memref_squeeze %dma_wait3A_202 : memref<1x128x128xf32, #tpu.memory_space<vmem>> -> memref<128x128xf32, #tpu.memory_space<vmem>>
        %dma_wait3A_204 = arith.constant 0 : i32
        %dma_wait3A_205 = tpu.memref_slice %arg4[%add3A_152, %dma_wait3A_204] : memref<262144x128xf32, #tpu.memory_space<hbm>> -> memref<128x128xf32, #tpu.memory_space<hbm>>
        %dma_wait3A_206 = arith.constant 0 : i32
        %dma_wait3A_207 = tpu.memref_slice %arg4[%add3A_152, %dma_wait3A_206] : memref<262144x128xf32, #tpu.memory_space<hbm>> -> memref<128x128xf32, #tpu.memory_space<hbm>>
        %dma_wait3A_208 = arith.constant 0 : i32
        %dma_wait3A_209 = arith.constant 0 : i32
        %dma_wait3A_210 = tpu.memref_slice %arg6[%run_scoped3A_153, %dma_wait3A_208, %dma_wait3A_209] : memref<4x128x128xf32, #tpu.memory_space<vmem>> -> memref<1x128x128xf32, #tpu.memory_space<vmem>>
        %dma_wait3A_211 = tpu.memref_squeeze %dma_wait3A_210 : memref<1x128x128xf32, #tpu.memory_space<vmem>> -> memref<128x128xf32, #tpu.memory_space<vmem>>
        tpu.wait_dma2 semaphore(%run_scoped3A_187 : memref<!tpu.dma_semaphore, #tpu.memory_space<semaphore_mem>>) src(%dma_wait3A_211 : memref<128x128xf32, #tpu.memory_space<vmem>>) dst(%dma_wait3A_207 : memref<128x128xf32, #tpu.memory_space<hbm>>)
        tpu.yield
      }) : () -> ()
      %lt3A_154 = arith.constant 15 : i32
      %lt3A_155 = arith.cmpi slt, %scan3A_78, %lt3A_154 : i32
      %convert_element_type3A_156 = arith.extui %lt3A_155 : i1 to i32
      %cond3A_157 = arith.constant 0 : i32
      %cond3A_158 = arith.cmpi ne, %convert_element_type3A_156, %cond3A_157 : i32
      scf.if %cond3A_158 {
        %add3A_187 = arith.constant 4 : i32
        %add3A_188 = arith.addi %add3A_134, %add3A_187 : i32
        %mul3A_189 = arith.constant 128 : i32
        %mul3A_190 = arith.muli %add3A_188, %mul3A_189 : i32
        %add3A_191 = arith.addi %mul3A_2, %mul3A_190 : i32
        %run_scoped3A_192 = arith.constant 2 : i32
        "tpu.region"() ({
          %run_scoped3A_208 = tpu.sem_alloc : memref<!tpu.dma_semaphore, #tpu.memory_space<semaphore_mem>>
          %dma_start3A_209 = arith.constant 0 : i32
          %dma_start3A_210 = tpu.memref_slice %arg5[%run_scoped3A_192, %dma_start3A_209] : memref<4x128xi32, #tpu.memory_space<vmem>> -> memref<1x128xi32, #tpu.memory_space<vmem>>
          %dma_start3A_211 = tpu.memref_squeeze %dma_start3A_210 : memref<1x128xi32, #tpu.memory_space<vmem>> -> memref<128xi32, #tpu.memory_space<vmem>>
          %dma_start3A_212 = tpu.memref_slice %arg3[%add3A_191] : memref<262144xi32, #tpu.memory_space<hbm>> -> memref<128xi32, #tpu.memory_space<hbm>>
          %dma_start3A_213 = arith.constant 0 : i32
          %dma_start3A_214 = tpu.memref_slice %arg5[%run_scoped3A_192, %dma_start3A_213] : memref<4x128xi32, #tpu.memory_space<vmem>> -> memref<1x128xi32, #tpu.memory_space<vmem>>
          %dma_start3A_215 = tpu.memref_squeeze %dma_start3A_214 : memref<1x128xi32, #tpu.memory_space<vmem>> -> memref<128xi32, #tpu.memory_space<vmem>>
          %dma_start3A_216 = tpu.memref_slice %arg3[%add3A_191] : memref<262144xi32, #tpu.memory_space<hbm>> -> memref<128xi32, #tpu.memory_space<hbm>>
          tpu.enqueue_dma source(%dma_start3A_216 : memref<128xi32, #tpu.memory_space<hbm>>) target(%dma_start3A_215 : memref<128xi32, #tpu.memory_space<vmem>>) target_semaphore(%run_scoped3A_208 : memref<!tpu.dma_semaphore, #tpu.memory_space<semaphore_mem>>)
          %dma_wait3A_217 = arith.constant 0 : i32
          %dma_wait3A_218 = tpu.memref_slice %arg5[%run_scoped3A_192, %dma_wait3A_217] : memref<4x128xi32, #tpu.memory_space<vmem>> -> memref<1x128xi32, #tpu.memory_space<vmem>>
          %dma_wait3A_219 = tpu.memref_squeeze %dma_wait3A_218 : memref<1x128xi32, #tpu.memory_space<vmem>> -> memref<128xi32, #tpu.memory_space<vmem>>
          %dma_wait3A_220 = tpu.memref_slice %arg3[%add3A_191] : memref<262144xi32, #tpu.memory_space<hbm>> -> memref<128xi32, #tpu.memory_space<hbm>>
          %dma_wait3A_221 = arith.constant 0 : i32
          %dma_wait3A_222 = tpu.memref_slice %arg5[%run_scoped3A_192, %dma_wait3A_221] : memref<4x128xi32, #tpu.memory_space<vmem>> -> memref<1x128xi32, #tpu.memory_space<vmem>>
          %dma_wait3A_223 = tpu.memref_squeeze %dma_wait3A_222 : memref<1x128xi32, #tpu.memory_space<vmem>> -> memref<128xi32, #tpu.memory_space<vmem>>
          %dma_wait3A_224 = tpu.memref_slice %arg3[%add3A_191] : memref<262144xi32, #tpu.memory_space<hbm>> -> memref<128xi32, #tpu.memory_space<hbm>>
          tpu.wait_dma2 semaphore(%run_scoped3A_208 : memref<!tpu.dma_semaphore, #tpu.memory_space<semaphore_mem>>) src(%dma_wait3A_224 : memref<128xi32, #tpu.memory_space<hbm>>) dst(%dma_wait3A_223 : memref<128xi32, #tpu.memory_space<vmem>>)
          tpu.yield
        }) : () -> ()
        %dma_start3A_193 = arith.constant 2 : i32
        %dma_start3A_194 = arith.constant 2 : i32
        %dma_start3A_195 = arith.constant 2 : i32
        %dma_start3A_196 = arith.constant 0 : i32
        %dma_start3A_197 = arith.constant 0 : i32
        %dma_start3A_198 = tpu.memref_slice %arg6[%dma_start3A_194, %dma_start3A_196, %dma_start3A_197] : memref<4x128x128xf32, #tpu.memory_space<vmem>> -> memref<1x128x128xf32, #tpu.memory_space<vmem>>
        %dma_start3A_199 = tpu.memref_squeeze %dma_start3A_198 : memref<1x128x128xf32, #tpu.memory_space<vmem>> -> memref<128x128xf32, #tpu.memory_space<vmem>>
        %dma_start3A_200 = arith.constant 0 : i32
        %dma_start3A_201 = tpu.memref_slice %arg5[%dma_start3A_193, %dma_start3A_200] : memref<4x128xi32, #tpu.memory_space<vmem>> -> memref<1x128xi32, #tpu.memory_space<vmem>>
        %dma_start3A_202 = tpu.memref_squeeze %dma_start3A_201 : memref<1x128xi32, #tpu.memory_space<vmem>> -> memref<128xi32, #tpu.memory_space<vmem>>
        %dma_start3A_203 = arith.constant 0 : i32
        %dma_start3A_204 = arith.constant 0 : i32
        %dma_start3A_205 = tpu.memref_slice %arg2[%dma_start3A_203, %dma_start3A_204] : memref<16384x128xf32, #tpu.memory_space<hbm>> -> memref<16384x128xf32, #tpu.memory_space<hbm>>
        %dma_start3A_206 = tpu.memref_slice %arg7[%dma_start3A_195] : memref<4x!tpu.dma_semaphore, #tpu.memory_space<semaphore_mem>> -> memref<1x!tpu.dma_semaphore, #tpu.memory_space<semaphore_mem>>
        %dma_start3A_207 = tpu.memref_squeeze %dma_start3A_206 : memref<1x!tpu.dma_semaphore, #tpu.memory_space<semaphore_mem>> -> memref<!tpu.dma_semaphore, #tpu.memory_space<semaphore_mem>>
        tpu.enqueue_indirect_dma source(%dma_start3A_205 : memref<16384x128xf32, #tpu.memory_space<hbm>>) target(%dma_start3A_199 : memref<128x128xf32, #tpu.memory_space<vmem>>) offsets(%dma_start3A_202 : memref<128xi32, #tpu.memory_space<vmem>>) semaphore(%dma_start3A_207 : memref<!tpu.dma_semaphore, #tpu.memory_space<semaphore_mem>>)
      } else {
      }
      %mul3A_159 = arith.constant 4 : i32
      %mul3A_160 = arith.muli %scan3A_78, %mul3A_159 : i32
      %add3A_161 = arith.constant 3 : i32
      %add3A_162 = arith.addi %mul3A_160, %add3A_161 : i32
      %dma_wait3A_163 = arith.constant 3 : i32
      %dma_wait3A_164 = arith.constant 3 : i32
      %dma_wait3A_165 = arith.constant 3 : i32
      %dma_wait3A_166 = arith.constant 0 : i32
      %dma_wait3A_167 = arith.constant 0 : i32
      %dma_wait3A_168 = tpu.memref_slice %arg6[%dma_wait3A_164, %dma_wait3A_166, %dma_wait3A_167] : memref<4x128x128xf32, #tpu.memory_space<vmem>> -> memref<1x128x128xf32, #tpu.memory_space<vmem>>
      %dma_wait3A_169 = tpu.memref_squeeze %dma_wait3A_168 : memref<1x128x128xf32, #tpu.memory_space<vmem>> -> memref<128x128xf32, #tpu.memory_space<vmem>>
      %dma_wait3A_170 = arith.constant 0 : i32
      %dma_wait3A_171 = tpu.memref_slice %arg5[%dma_wait3A_163, %dma_wait3A_170] : memref<4x128xi32, #tpu.memory_space<vmem>> -> memref<1x128xi32, #tpu.memory_space<vmem>>
      %dma_wait3A_172 = tpu.memref_squeeze %dma_wait3A_171 : memref<1x128xi32, #tpu.memory_space<vmem>> -> memref<128xi32, #tpu.memory_space<vmem>>
      %dma_wait3A_173 = arith.constant 0 : i32
      %dma_wait3A_174 = arith.constant 0 : i32
      %dma_wait3A_175 = tpu.memref_slice %arg2[%dma_wait3A_173, %dma_wait3A_174] : memref<16384x128xf32, #tpu.memory_space<hbm>> -> memref<16384x128xf32, #tpu.memory_space<hbm>>
      %dma_wait3A_176 = tpu.memref_slice %arg7[%dma_wait3A_165] : memref<4x!tpu.dma_semaphore, #tpu.memory_space<semaphore_mem>> -> memref<1x!tpu.dma_semaphore, #tpu.memory_space<semaphore_mem>>
      %dma_wait3A_177 = tpu.memref_squeeze %dma_wait3A_176 : memref<1x!tpu.dma_semaphore, #tpu.memory_space<semaphore_mem>> -> memref<!tpu.dma_semaphore, #tpu.memory_space<semaphore_mem>>
      tpu.wait_indirect_dma semaphore(%dma_wait3A_177 : memref<!tpu.dma_semaphore, #tpu.memory_space<semaphore_mem>>) src(%dma_wait3A_175 : memref<16384x128xf32, #tpu.memory_space<hbm>>) dst(%dma_wait3A_169 : memref<128x128xf32, #tpu.memory_space<vmem>>)
      %mul3A_178 = arith.constant 128 : i32
      %mul3A_179 = arith.muli %add3A_162, %mul3A_178 : i32
      %add3A_180 = arith.addi %mul3A_2, %mul3A_179 : i32
      %run_scoped3A_181 = arith.constant 3 : i32
      "tpu.region"() ({
        %run_scoped3A_187 = tpu.sem_alloc : memref<!tpu.dma_semaphore, #tpu.memory_space<semaphore_mem>>
        %dma_start3A_188 = arith.constant 0 : i32
        %dma_start3A_189 = arith.constant 0 : i32
        %dma_start3A_190 = tpu.memref_slice %arg6[%run_scoped3A_181, %dma_start3A_188, %dma_start3A_189] : memref<4x128x128xf32, #tpu.memory_space<vmem>> -> memref<1x128x128xf32, #tpu.memory_space<vmem>>
        %dma_start3A_191 = tpu.memref_squeeze %dma_start3A_190 : memref<1x128x128xf32, #tpu.memory_space<vmem>> -> memref<128x128xf32, #tpu.memory_space<vmem>>
        %dma_start3A_192 = arith.constant 0 : i32
        %dma_start3A_193 = tpu.memref_slice %arg4[%add3A_180, %dma_start3A_192] : memref<262144x128xf32, #tpu.memory_space<hbm>> -> memref<128x128xf32, #tpu.memory_space<hbm>>
        %dma_start3A_194 = arith.constant 0 : i32
        %dma_start3A_195 = tpu.memref_slice %arg4[%add3A_180, %dma_start3A_194] : memref<262144x128xf32, #tpu.memory_space<hbm>> -> memref<128x128xf32, #tpu.memory_space<hbm>>
        %dma_start3A_196 = arith.constant 0 : i32
        %dma_start3A_197 = arith.constant 0 : i32
        %dma_start3A_198 = tpu.memref_slice %arg6[%run_scoped3A_181, %dma_start3A_196, %dma_start3A_197] : memref<4x128x128xf32, #tpu.memory_space<vmem>> -> memref<1x128x128xf32, #tpu.memory_space<vmem>>
        %dma_start3A_199 = tpu.memref_squeeze %dma_start3A_198 : memref<1x128x128xf32, #tpu.memory_space<vmem>> -> memref<128x128xf32, #tpu.memory_space<vmem>>
        tpu.enqueue_dma source(%dma_start3A_199 : memref<128x128xf32, #tpu.memory_space<vmem>>) target(%dma_start3A_195 : memref<128x128xf32, #tpu.memory_space<hbm>>) target_semaphore(%run_scoped3A_187 : memref<!tpu.dma_semaphore, #tpu.memory_space<semaphore_mem>>)
        %dma_wait3A_200 = arith.constant 0 : i32
        %dma_wait3A_201 = arith.constant 0 : i32
        %dma_wait3A_202 = tpu.memref_slice %arg6[%run_scoped3A_181, %dma_wait3A_200, %dma_wait3A_201] : memref<4x128x128xf32, #tpu.memory_space<vmem>> -> memref<1x128x128xf32, #tpu.memory_space<vmem>>
        %dma_wait3A_203 = tpu.memref_squeeze %dma_wait3A_202 : memref<1x128x128xf32, #tpu.memory_space<vmem>> -> memref<128x128xf32, #tpu.memory_space<vmem>>
        %dma_wait3A_204 = arith.constant 0 : i32
        %dma_wait3A_205 = tpu.memref_slice %arg4[%add3A_180, %dma_wait3A_204] : memref<262144x128xf32, #tpu.memory_space<hbm>> -> memref<128x128xf32, #tpu.memory_space<hbm>>
        %dma_wait3A_206 = arith.constant 0 : i32
        %dma_wait3A_207 = tpu.memref_slice %arg4[%add3A_180, %dma_wait3A_206] : memref<262144x128xf32, #tpu.memory_space<hbm>> -> memref<128x128xf32, #tpu.memory_space<hbm>>
        %dma_wait3A_208 = arith.constant 0 : i32
        %dma_wait3A_209 = arith.constant 0 : i32
        %dma_wait3A_210 = tpu.memref_slice %arg6[%run_scoped3A_181, %dma_wait3A_208, %dma_wait3A_209] : memref<4x128x128xf32, #tpu.memory_space<vmem>> -> memref<1x128x128xf32, #tpu.memory_space<vmem>>
        %dma_wait3A_211 = tpu.memref_squeeze %dma_wait3A_210 : memref<1x128x128xf32, #tpu.memory_space<vmem>> -> memref<128x128xf32, #tpu.memory_space<vmem>>
        tpu.wait_dma2 semaphore(%run_scoped3A_187 : memref<!tpu.dma_semaphore, #tpu.memory_space<semaphore_mem>>) src(%dma_wait3A_211 : memref<128x128xf32, #tpu.memory_space<vmem>>) dst(%dma_wait3A_207 : memref<128x128xf32, #tpu.memory_space<hbm>>)
        tpu.yield
      }) : () -> ()
      %lt3A_182 = arith.constant 15 : i32
      %lt3A_183 = arith.cmpi slt, %scan3A_78, %lt3A_182 : i32
      %convert_element_type3A_184 = arith.extui %lt3A_183 : i1 to i32
      %cond3A_185 = arith.constant 0 : i32
      %cond3A_186 = arith.cmpi ne, %convert_element_type3A_184, %cond3A_185 : i32
      scf.if %cond3A_186 {
        %add3A_187 = arith.constant 4 : i32
        %add3A_188 = arith.addi %add3A_162, %add3A_187 : i32
        %mul3A_189 = arith.constant 128 : i32
        %mul3A_190 = arith.muli %add3A_188, %mul3A_189 : i32
        %add3A_191 = arith.addi %mul3A_2, %mul3A_190 : i32
        %run_scoped3A_192 = arith.constant 3 : i32
        "tpu.region"() ({
          %run_scoped3A_208 = tpu.sem_alloc : memref<!tpu.dma_semaphore, #tpu.memory_space<semaphore_mem>>
          %dma_start3A_209 = arith.constant 0 : i32
          %dma_start3A_210 = tpu.memref_slice %arg5[%run_scoped3A_192, %dma_start3A_209] : memref<4x128xi32, #tpu.memory_space<vmem>> -> memref<1x128xi32, #tpu.memory_space<vmem>>
          %dma_start3A_211 = tpu.memref_squeeze %dma_start3A_210 : memref<1x128xi32, #tpu.memory_space<vmem>> -> memref<128xi32, #tpu.memory_space<vmem>>
          %dma_start3A_212 = tpu.memref_slice %arg3[%add3A_191] : memref<262144xi32, #tpu.memory_space<hbm>> -> memref<128xi32, #tpu.memory_space<hbm>>
          %dma_start3A_213 = arith.constant 0 : i32
          %dma_start3A_214 = tpu.memref_slice %arg5[%run_scoped3A_192, %dma_start3A_213] : memref<4x128xi32, #tpu.memory_space<vmem>> -> memref<1x128xi32, #tpu.memory_space<vmem>>
          %dma_start3A_215 = tpu.memref_squeeze %dma_start3A_214 : memref<1x128xi32, #tpu.memory_space<vmem>> -> memref<128xi32, #tpu.memory_space<vmem>>
          %dma_start3A_216 = tpu.memref_slice %arg3[%add3A_191] : memref<262144xi32, #tpu.memory_space<hbm>> -> memref<128xi32, #tpu.memory_space<hbm>>
          tpu.enqueue_dma source(%dma_start3A_216 : memref<128xi32, #tpu.memory_space<hbm>>) target(%dma_start3A_215 : memref<128xi32, #tpu.memory_space<vmem>>) target_semaphore(%run_scoped3A_208 : memref<!tpu.dma_semaphore, #tpu.memory_space<semaphore_mem>>)
          %dma_wait3A_217 = arith.constant 0 : i32
          %dma_wait3A_218 = tpu.memref_slice %arg5[%run_scoped3A_192, %dma_wait3A_217] : memref<4x128xi32, #tpu.memory_space<vmem>> -> memref<1x128xi32, #tpu.memory_space<vmem>>
          %dma_wait3A_219 = tpu.memref_squeeze %dma_wait3A_218 : memref<1x128xi32, #tpu.memory_space<vmem>> -> memref<128xi32, #tpu.memory_space<vmem>>
          %dma_wait3A_220 = tpu.memref_slice %arg3[%add3A_191] : memref<262144xi32, #tpu.memory_space<hbm>> -> memref<128xi32, #tpu.memory_space<hbm>>
          %dma_wait3A_221 = arith.constant 0 : i32
          %dma_wait3A_222 = tpu.memref_slice %arg5[%run_scoped3A_192, %dma_wait3A_221] : memref<4x128xi32, #tpu.memory_space<vmem>> -> memref<1x128xi32, #tpu.memory_space<vmem>>
          %dma_wait3A_223 = tpu.memref_squeeze %dma_wait3A_222 : memref<1x128xi32, #tpu.memory_space<vmem>> -> memref<128xi32, #tpu.memory_space<vmem>>
          %dma_wait3A_224 = tpu.memref_slice %arg3[%add3A_191] : memref<262144xi32, #tpu.memory_space<hbm>> -> memref<128xi32, #tpu.memory_space<hbm>>
          tpu.wait_dma2 semaphore(%run_scoped3A_208 : memref<!tpu.dma_semaphore, #tpu.memory_space<semaphore_mem>>) src(%dma_wait3A_224 : memref<128xi32, #tpu.memory_space<hbm>>) dst(%dma_wait3A_223 : memref<128xi32, #tpu.memory_space<vmem>>)
          tpu.yield
        }) : () -> ()
        %dma_start3A_193 = arith.constant 3 : i32
        %dma_start3A_194 = arith.constant 3 : i32
        %dma_start3A_195 = arith.constant 3 : i32
        %dma_start3A_196 = arith.constant 0 : i32
        %dma_start3A_197 = arith.constant 0 : i32
        %dma_start3A_198 = tpu.memref_slice %arg6[%dma_start3A_194, %dma_start3A_196, %dma_start3A_197] : memref<4x128x128xf32, #tpu.memory_space<vmem>> -> memref<1x128x128xf32, #tpu.memory_space<vmem>>
        %dma_start3A_199 = tpu.memref_squeeze %dma_start3A_198 : memref<1x128x128xf32, #tpu.memory_space<vmem>> -> memref<128x128xf32, #tpu.memory_space<vmem>>
        %dma_start3A_200 = arith.constant 0 : i32
        %dma_start3A_201 = tpu.memref_slice %arg5[%dma_start3A_193, %dma_start3A_200] : memref<4x128xi32, #tpu.memory_space<vmem>> -> memref<1x128xi32, #tpu.memory_space<vmem>>
        %dma_start3A_202 = tpu.memref_squeeze %dma_start3A_201 : memref<1x128xi32, #tpu.memory_space<vmem>> -> memref<128xi32, #tpu.memory_space<vmem>>
        %dma_start3A_203 = arith.constant 0 : i32
        %dma_start3A_204 = arith.constant 0 : i32
        %dma_start3A_205 = tpu.memref_slice %arg2[%dma_start3A_203, %dma_start3A_204] : memref<16384x128xf32, #tpu.memory_space<hbm>> -> memref<16384x128xf32, #tpu.memory_space<hbm>>
        %dma_start3A_206 = tpu.memref_slice %arg7[%dma_start3A_195] : memref<4x!tpu.dma_semaphore, #tpu.memory_space<semaphore_mem>> -> memref<1x!tpu.dma_semaphore, #tpu.memory_space<semaphore_mem>>
        %dma_start3A_207 = tpu.memref_squeeze %dma_start3A_206 : memref<1x!tpu.dma_semaphore, #tpu.memory_space<semaphore_mem>> -> memref<!tpu.dma_semaphore, #tpu.memory_space<semaphore_mem>>
        tpu.enqueue_indirect_dma source(%dma_start3A_205 : memref<16384x128xf32, #tpu.memory_space<hbm>>) target(%dma_start3A_199 : memref<128x128xf32, #tpu.memory_space<vmem>>) offsets(%dma_start3A_202 : memref<128xi32, #tpu.memory_space<vmem>>) semaphore(%dma_start3A_207 : memref<!tpu.dma_semaphore, #tpu.memory_space<semaphore_mem>>)
      } else {
      }
    }
    %scan3A_77 = arith.constant 16 : i32
    return
  }
}

module attributes {stable_mosaic.version = 14 : i64} {
  func.func @_knn_kernel(%arg0: i32, %arg1: i32, %arg2: memref<1x8x1024xf32, #tpu.memory_space<vmem>>, %arg3: memref<1x256x64xf32, #tpu.memory_space<vmem>>, %arg4: memref<1x256x128xi32, #tpu.memory_space<vmem>>, %arg5: memref<256x1024xf32, #tpu.memory_space<vmem>>) attributes {dimension_semantics = [#tpu.dimension_semantics<arbitrary>, #tpu.dimension_semantics<arbitrary>], iteration_bounds = array<i64: 16, 4>, scalar_prefetch = 0 : i64, scratch_operands = 1 : i64, tpu.core_type = #tpu.core_type<tc>, window_params = [{transform_indices = @transform_0, window_bounds = array<i64: 1, 8, 1024>}, {transform_indices = @transform_1, window_bounds = array<i64: 1, 256, 64>}, {transform_indices = @transform_2, window_bounds = array<i64: 1, 256, 128>}]} {
    %broadcast_in_dim3A = arith.constant 0.000000e+00 : f32
    %broadcast_in_dim3A_0 = vector.broadcast %broadcast_in_dim3A : f32 to vector<256x1024xf32>
    %get3A = arith.constant 0 : index
    %get3A_1 = arith.constant 0 : index
    %get3A_2 = arith.constant 0 : index
    %get3A_3 = vector.load %arg3[%get3A, %get3A_1, %get3A_2] : memref<1x256x64xf32, #tpu.memory_space<vmem>>, vector<1x256x1xf32>
    %get3A_4 = vector.shape_cast %get3A_3 : vector<1x256x1xf32> to vector<256x1xf32>
    %get3A_5 = arith.constant 0 : index
    %get3A_6 = arith.constant 0 : index
    %get3A_7 = arith.constant 0 : index
    %get3A_8 = vector.load %arg2[%get3A_5, %get3A_6, %get3A_7] : memref<1x8x1024xf32, #tpu.memory_space<vmem>>, vector<1x1x1024xf32>
    %get3A_9 = vector.shape_cast %get3A_8 : vector<1x1x1024xf32> to vector<1x1024xf32>
    %sub3A = vector.broadcast %get3A_4 : vector<256x1xf32> to vector<256x1024xf32>
    %sub3A_10 = vector.broadcast %get3A_9 : vector<1x1024xf32> to vector<256x1024xf32>
    %sub3A_11 = arith.subf %sub3A, %sub3A_10 : vector<256x1024xf32>
    %mul3A = arith.mulf %sub3A_11, %sub3A_11 : vector<256x1024xf32>
    %add3A = arith.addf %broadcast_in_dim3A_0, %mul3A : vector<256x1024xf32>
    %get3A_12 = arith.constant 0 : index
    %get3A_13 = arith.constant 0 : index
    %get3A_14 = arith.constant 1 : index
    %get3A_15 = vector.load %arg3[%get3A_12, %get3A_13, %get3A_14] : memref<1x256x64xf32, #tpu.memory_space<vmem>>, vector<1x256x1xf32>
    %get3A_16 = vector.shape_cast %get3A_15 : vector<1x256x1xf32> to vector<256x1xf32>
    %get3A_17 = arith.constant 0 : index
    %get3A_18 = arith.constant 1 : index
    %get3A_19 = arith.constant 0 : index
    %get3A_20 = vector.load %arg2[%get3A_17, %get3A_18, %get3A_19] : memref<1x8x1024xf32, #tpu.memory_space<vmem>>, vector<1x1x1024xf32>
    %get3A_21 = vector.shape_cast %get3A_20 : vector<1x1x1024xf32> to vector<1x1024xf32>
    %sub3A_22 = vector.broadcast %get3A_16 : vector<256x1xf32> to vector<256x1024xf32>
    %sub3A_23 = vector.broadcast %get3A_21 : vector<1x1024xf32> to vector<256x1024xf32>
    %sub3A_24 = arith.subf %sub3A_22, %sub3A_23 : vector<256x1024xf32>
    %mul3A_25 = arith.mulf %sub3A_24, %sub3A_24 : vector<256x1024xf32>
    %add3A_26 = arith.addf %add3A, %mul3A_25 : vector<256x1024xf32>
    %get3A_27 = arith.constant 0 : index
    %get3A_28 = arith.constant 0 : index
    %get3A_29 = arith.constant 2 : index
    %get3A_30 = vector.load %arg3[%get3A_27, %get3A_28, %get3A_29] : memref<1x256x64xf32, #tpu.memory_space<vmem>>, vector<1x256x1xf32>
    %get3A_31 = vector.shape_cast %get3A_30 : vector<1x256x1xf32> to vector<256x1xf32>
    %get3A_32 = arith.constant 0 : index
    %get3A_33 = arith.constant 2 : index
    %get3A_34 = arith.constant 0 : index
    %get3A_35 = vector.load %arg2[%get3A_32, %get3A_33, %get3A_34] : memref<1x8x1024xf32, #tpu.memory_space<vmem>>, vector<1x1x1024xf32>
    %get3A_36 = vector.shape_cast %get3A_35 : vector<1x1x1024xf32> to vector<1x1024xf32>
    %sub3A_37 = vector.broadcast %get3A_31 : vector<256x1xf32> to vector<256x1024xf32>
    %sub3A_38 = vector.broadcast %get3A_36 : vector<1x1024xf32> to vector<256x1024xf32>
    %sub3A_39 = arith.subf %sub3A_37, %sub3A_38 : vector<256x1024xf32>
    %mul3A_40 = arith.mulf %sub3A_39, %sub3A_39 : vector<256x1024xf32>
    %add3A_41 = arith.addf %add3A_26, %mul3A_40 : vector<256x1024xf32>
    %iota3A = tpu.iota {dimensions = array<i32: 1>} : vector<256x1024xi32>
    %convert_element_type3A = arith.sitofp %iota3A : vector<256x1024xi32> to vector<256x1024xf32>
    %iota3A_42 = tpu.iota {dimensions = array<i32: 0>} : vector<256x1024xi32>
    %mul3A_43 = arith.constant 256 : i32
    %mul3A_44 = arith.muli %arg1, %mul3A_43 : i32
    %add3A_45 = vector.broadcast %mul3A_44 : i32 to vector<256x1024xi32>
    %add3A_46 = arith.addi %iota3A_42, %add3A_45 : vector<256x1024xi32>
    %convert_element_type3A_47 = arith.sitofp %add3A_46 : vector<256x1024xi32> to vector<256x1024xf32>
    %eq3A = arith.cmpf oeq, %convert_element_type3A, %convert_element_type3A_47 : vector<256x1024xf32>
    %jit3A = arith.constant 3.000000e+38 : f32
    %broadcast_in_dim3A_48 = vector.broadcast %jit3A : f32 to vector<256x1024xf32>
    %select_n3A = arith.select %eq3A, %broadcast_in_dim3A_48, %add3A_41 : vector<256x1024xi1>, vector<256x1024xf32>
    %swap3A = arith.constant 0 : index
    %swap3A_49 = arith.constant 0 : index
    %swap3A_50 = vector.load %arg5[%swap3A, %swap3A_49] : memref<256x1024xf32, #tpu.memory_space<vmem>>, vector<256x1024xf32>
    tpu.vector_store %arg5[%swap3A, %swap3A_49], %select_n3A {strides = array<i32>} : memref<256x1024xf32, #tpu.memory_space<vmem>>, vector<256x1024xf32>,
    %get3A_51 = arith.constant 0 : index
    %get3A_52 = arith.constant 0 : index
    %get3A_53 = vector.load %arg5[%get3A_51, %get3A_52] : memref<256x1024xf32, #tpu.memory_space<vmem>>, vector<256x1024xf32>
    %reduce_min3A = arith.constant dense<0x7F800000> : vector<256xf32>
    %reduce_min3A_54 = vector.multi_reduction <minimumf>, %get3A_53, %reduce_min3A [1] : vector<256x1024xf32> to vector<256xf32>
    %broadcast_in_dim3A_55 = vector.shape_cast %reduce_min3A_54 : vector<256xf32> to vector<256x1xf32>
    %eq3A_56 = vector.broadcast %broadcast_in_dim3A_55 : vector<256x1xf32> to vector<256x1024xf32>
    %eq3A_57 = arith.cmpf oeq, %get3A_53, %eq3A_56 : vector<256x1024xf32>
    %jit3A_58 = arith.constant 3.000000e+38 : f32
    %broadcast_in_dim3A_59 = vector.broadcast %jit3A_58 : f32 to vector<256x1024xf32>
    %select_n3A_60 = arith.select %eq3A_57, %broadcast_in_dim3A_59, %get3A_53 : vector<256x1024xi1>, vector<256x1024xf32>
    %swap3A_61 = arith.constant 0 : index
    %swap3A_62 = arith.constant 0 : index
    %swap3A_63 = vector.load %arg5[%swap3A_61, %swap3A_62] : memref<256x1024xf32, #tpu.memory_space<vmem>>, vector<256x1024xf32>
    tpu.vector_store %arg5[%swap3A_61, %swap3A_62], %select_n3A_60 {strides = array<i32>} : memref<256x1024xf32, #tpu.memory_space<vmem>>, vector<256x1024xf32>,
    %jit3A_64 = arith.constant 1.024000e+03 : f32
    %broadcast_in_dim3A_65 = vector.broadcast %jit3A_64 : f32 to vector<256x1024xf32>
    %select_n3A_66 = arith.select %eq3A_57, %convert_element_type3A, %broadcast_in_dim3A_65 : vector<256x1024xi1>, vector<256x1024xf32>
    %reduce_min3A_67 = arith.constant dense<0x7F800000> : vector<256xf32>
    %reduce_min3A_68 = vector.multi_reduction <minimumf>, %select_n3A_66, %reduce_min3A_67 [1] : vector<256x1024xf32> to vector<256xf32>
    %broadcast_in_dim3A_69 = vector.shape_cast %reduce_min3A_68 : vector<256xf32> to vector<256x1xf32>
    %convert_element_type3A_70 = arith.fptosi %broadcast_in_dim3A_69 : vector<256x1xf32> to vector<256x1xi32>
    %swap3A_71 = arith.constant 0 : index
    %swap3A_72 = arith.constant 0 : index
    %swap3A_73 = arith.constant 0 : index
    %swap3A_74 = vector.load %arg4[%swap3A_71, %swap3A_72, %swap3A_73] : memref<1x256x128xi32, #tpu.memory_space<vmem>>, vector<1x256x1xi32>
    %swap3A_75 = vector.shape_cast %swap3A_74 : vector<1x256x1xi32> to vector<256x1xi32>
    %swap3A_76 = vector.shape_cast %convert_element_type3A_70 : vector<256x1xi32> to vector<1x256x1xi32>
    tpu.vector_store %arg4[%swap3A_71, %swap3A_72, %swap3A_73], %swap3A_76 {strides = array<i32>} : memref<1x256x128xi32, #tpu.memory_space<vmem>>, vector<1x256x1xi32>,
    %get3A_77 = arith.constant 0 : index
    %get3A_78 = arith.constant 0 : index
    %get3A_79 = vector.load %arg5[%get3A_77, %get3A_78] : memref<256x1024xf32, #tpu.memory_space<vmem>>, vector<256x1024xf32>
    %reduce_min3A_80 = arith.constant dense<0x7F800000> : vector<256xf32>
    %reduce_min3A_81 = vector.multi_reduction <minimumf>, %get3A_79, %reduce_min3A_80 [1] : vector<256x1024xf32> to vector<256xf32>
    %broadcast_in_dim3A_82 = vector.shape_cast %reduce_min3A_81 : vector<256xf32> to vector<256x1xf32>
    %eq3A_83 = vector.broadcast %broadcast_in_dim3A_82 : vector<256x1xf32> to vector<256x1024xf32>
    %eq3A_84 = arith.cmpf oeq, %get3A_79, %eq3A_83 : vector<256x1024xf32>
    %jit3A_85 = arith.constant 3.000000e+38 : f32
    %broadcast_in_dim3A_86 = vector.broadcast %jit3A_85 : f32 to vector<256x1024xf32>
    %select_n3A_87 = arith.select %eq3A_84, %broadcast_in_dim3A_86, %get3A_79 : vector<256x1024xi1>, vector<256x1024xf32>
    %swap3A_88 = arith.constant 0 : index
    %swap3A_89 = arith.constant 0 : index
    %swap3A_90 = vector.load %arg5[%swap3A_88, %swap3A_89] : memref<256x1024xf32, #tpu.memory_space<vmem>>, vector<256x1024xf32>
    tpu.vector_store %arg5[%swap3A_88, %swap3A_89], %select_n3A_87 {strides = array<i32>} : memref<256x1024xf32, #tpu.memory_space<vmem>>, vector<256x1024xf32>,
    %jit3A_91 = arith.constant 1.024000e+03 : f32
    %broadcast_in_dim3A_92 = vector.broadcast %jit3A_91 : f32 to vector<256x1024xf32>
    %select_n3A_93 = arith.select %eq3A_84, %convert_element_type3A, %broadcast_in_dim3A_92 : vector<256x1024xi1>, vector<256x1024xf32>
    %reduce_min3A_94 = arith.constant dense<0x7F800000> : vector<256xf32>
    %reduce_min3A_95 = vector.multi_reduction <minimumf>, %select_n3A_93, %reduce_min3A_94 [1] : vector<256x1024xf32> to vector<256xf32>
    %broadcast_in_dim3A_96 = vector.shape_cast %reduce_min3A_95 : vector<256xf32> to vector<256x1xf32>
    %convert_element_type3A_97 = arith.fptosi %broadcast_in_dim3A_96 : vector<256x1xf32> to vector<256x1xi32>
    %swap3A_98 = arith.constant 0 : index
    %swap3A_99 = arith.constant 0 : index
    %swap3A_100 = arith.constant 1 : index
    %swap3A_101 = vector.load %arg4[%swap3A_98, %swap3A_99, %swap3A_100] : memref<1x256x128xi32, #tpu.memory_space<vmem>>, vector<1x256x1xi32>
    %swap3A_102 = vector.shape_cast %swap3A_101 : vector<1x256x1xi32> to vector<256x1xi32>
    %swap3A_103 = vector.shape_cast %convert_element_type3A_97 : vector<256x1xi32> to vector<1x256x1xi32>
    tpu.vector_store %arg4[%swap3A_98, %swap3A_99, %swap3A_100], %swap3A_103 {strides = array<i32>} : memref<1x256x128xi32, #tpu.memory_space<vmem>>, vector<1x256x1xi32>,
    %get3A_104 = arith.constant 0 : index
    %get3A_105 = arith.constant 0 : index
    %get3A_106 = vector.load %arg5[%get3A_104, %get3A_105] : memref<256x1024xf32, #tpu.memory_space<vmem>>, vector<256x1024xf32>
    %reduce_min3A_107 = arith.constant dense<0x7F800000> : vector<256xf32>
    %reduce_min3A_108 = vector.multi_reduction <minimumf>, %get3A_106, %reduce_min3A_107 [1] : vector<256x1024xf32> to vector<256xf32>
    %broadcast_in_dim3A_109 = vector.shape_cast %reduce_min3A_108 : vector<256xf32> to vector<256x1xf32>
    %eq3A_110 = vector.broadcast %broadcast_in_dim3A_109 : vector<256x1xf32> to vector<256x1024xf32>
    %eq3A_111 = arith.cmpf oeq, %get3A_106, %eq3A_110 : vector<256x1024xf32>
    %jit3A_112 = arith.constant 3.000000e+38 : f32
    %broadcast_in_dim3A_113 = vector.broadcast %jit3A_112 : f32 to vector<256x1024xf32>
    %select_n3A_114 = arith.select %eq3A_111, %broadcast_in_dim3A_113, %get3A_106 : vector<256x1024xi1>, vector<256x1024xf32>
    %swap3A_115 = arith.constant 0 : index
    %swap3A_116 = arith.constant 0 : index
    %swap3A_117 = vector.load %arg5[%swap3A_115, %swap3A_116] : memref<256x1024xf32, #tpu.memory_space<vmem>>, vector<256x1024xf32>
    tpu.vector_store %arg5[%swap3A_115, %swap3A_116], %select_n3A_114 {strides = array<i32>} : memref<256x1024xf32, #tpu.memory_space<vmem>>, vector<256x1024xf32>,
    %jit3A_118 = arith.constant 1.024000e+03 : f32
    %broadcast_in_dim3A_119 = vector.broadcast %jit3A_118 : f32 to vector<256x1024xf32>
    %select_n3A_120 = arith.select %eq3A_111, %convert_element_type3A, %broadcast_in_dim3A_119 : vector<256x1024xi1>, vector<256x1024xf32>
    %reduce_min3A_121 = arith.constant dense<0x7F800000> : vector<256xf32>
    %reduce_min3A_122 = vector.multi_reduction <minimumf>, %select_n3A_120, %reduce_min3A_121 [1] : vector<256x1024xf32> to vector<256xf32>
    %broadcast_in_dim3A_123 = vector.shape_cast %reduce_min3A_122 : vector<256xf32> to vector<256x1xf32>
    %convert_element_type3A_124 = arith.fptosi %broadcast_in_dim3A_123 : vector<256x1xf32> to vector<256x1xi32>
    %swap3A_125 = arith.constant 0 : index
    %swap3A_126 = arith.constant 0 : index
    %swap3A_127 = arith.constant 2 : index
    %swap3A_128 = vector.load %arg4[%swap3A_125, %swap3A_126, %swap3A_127] : memref<1x256x128xi32, #tpu.memory_space<vmem>>, vector<1x256x1xi32>
    %swap3A_129 = vector.shape_cast %swap3A_128 : vector<1x256x1xi32> to vector<256x1xi32>
    %swap3A_130 = vector.shape_cast %convert_element_type3A_124 : vector<256x1xi32> to vector<1x256x1xi32>
    tpu.vector_store %arg4[%swap3A_125, %swap3A_126, %swap3A_127], %swap3A_130 {strides = array<i32>} : memref<1x256x128xi32, #tpu.memory_space<vmem>>, vector<1x256x1xi32>,
    %get3A_131 = arith.constant 0 : index
    %get3A_132 = arith.constant 0 : index
    %get3A_133 = vector.load %arg5[%get3A_131, %get3A_132] : memref<256x1024xf32, #tpu.memory_space<vmem>>, vector<256x1024xf32>
    %reduce_min3A_134 = arith.constant dense<0x7F800000> : vector<256xf32>
    %reduce_min3A_135 = vector.multi_reduction <minimumf>, %get3A_133, %reduce_min3A_134 [1] : vector<256x1024xf32> to vector<256xf32>
    %broadcast_in_dim3A_136 = vector.shape_cast %reduce_min3A_135 : vector<256xf32> to vector<256x1xf32>
    %eq3A_137 = vector.broadcast %broadcast_in_dim3A_136 : vector<256x1xf32> to vector<256x1024xf32>
    %eq3A_138 = arith.cmpf oeq, %get3A_133, %eq3A_137 : vector<256x1024xf32>
    %jit3A_139 = arith.constant 3.000000e+38 : f32
    %broadcast_in_dim3A_140 = vector.broadcast %jit3A_139 : f32 to vector<256x1024xf32>
    %select_n3A_141 = arith.select %eq3A_138, %broadcast_in_dim3A_140, %get3A_133 : vector<256x1024xi1>, vector<256x1024xf32>
    %swap3A_142 = arith.constant 0 : index
    %swap3A_143 = arith.constant 0 : index
    %swap3A_144 = vector.load %arg5[%swap3A_142, %swap3A_143] : memref<256x1024xf32, #tpu.memory_space<vmem>>, vector<256x1024xf32>
    tpu.vector_store %arg5[%swap3A_142, %swap3A_143], %select_n3A_141 {strides = array<i32>} : memref<256x1024xf32, #tpu.memory_space<vmem>>, vector<256x1024xf32>,
    %jit3A_145 = arith.constant 1.024000e+03 : f32
    %broadcast_in_dim3A_146 = vector.broadcast %jit3A_145 : f32 to vector<256x1024xf32>
    %select_n3A_147 = arith.select %eq3A_138, %convert_element_type3A, %broadcast_in_dim3A_146 : vector<256x1024xi1>, vector<256x1024xf32>
    %reduce_min3A_148 = arith.constant dense<0x7F800000> : vector<256xf32>
    %reduce_min3A_149 = vector.multi_reduction <minimumf>, %select_n3A_147, %reduce_min3A_148 [1] : vector<256x1024xf32> to vector<256xf32>
    %broadcast_in_dim3A_150 = vector.shape_cast %reduce_min3A_149 : vector<256xf32> to vector<256x1xf32>
    %convert_element_type3A_151 = arith.fptosi %broadcast_in_dim3A_150 : vector<256x1xf32> to vector<256x1xi32>
    %swap3A_152 = arith.constant 0 : index
    %swap3A_153 = arith.constant 0 : index
    %swap3A_154 = arith.constant 3 : index
    %swap3A_155 = vector.load %arg4[%swap3A_152, %swap3A_153, %swap3A_154] : memref<1x256x128xi32, #tpu.memory_space<vmem>>, vector<1x256x1xi32>
    %swap3A_156 = vector.shape_cast %swap3A_155 : vector<1x256x1xi32> to vector<256x1xi32>
    %swap3A_157 = vector.shape_cast %convert_element_type3A_151 : vector<256x1xi32> to vector<1x256x1xi32>
    tpu.vector_store %arg4[%swap3A_152, %swap3A_153, %swap3A_154], %swap3A_157 {strides = array<i32>} : memref<1x256x128xi32, #tpu.memory_space<vmem>>, vector<1x256x1xi32>,
    %get3A_158 = arith.constant 0 : index
    %get3A_159 = arith.constant 0 : index
    %get3A_160 = vector.load %arg5[%get3A_158, %get3A_159] : memref<256x1024xf32, #tpu.memory_space<vmem>>, vector<256x1024xf32>
    %reduce_min3A_161 = arith.constant dense<0x7F800000> : vector<256xf32>
    %reduce_min3A_162 = vector.multi_reduction <minimumf>, %get3A_160, %reduce_min3A_161 [1] : vector<256x1024xf32> to vector<256xf32>
    %broadcast_in_dim3A_163 = vector.shape_cast %reduce_min3A_162 : vector<256xf32> to vector<256x1xf32>
    %eq3A_164 = vector.broadcast %broadcast_in_dim3A_163 : vector<256x1xf32> to vector<256x1024xf32>
    %eq3A_165 = arith.cmpf oeq, %get3A_160, %eq3A_164 : vector<256x1024xf32>
    %jit3A_166 = arith.constant 3.000000e+38 : f32
    %broadcast_in_dim3A_167 = vector.broadcast %jit3A_166 : f32 to vector<256x1024xf32>
    %select_n3A_168 = arith.select %eq3A_165, %broadcast_in_dim3A_167, %get3A_160 : vector<256x1024xi1>, vector<256x1024xf32>
    %swap3A_169 = arith.constant 0 : index
    %swap3A_170 = arith.constant 0 : index
    %swap3A_171 = vector.load %arg5[%swap3A_169, %swap3A_170] : memref<256x1024xf32, #tpu.memory_space<vmem>>, vector<256x1024xf32>
    tpu.vector_store %arg5[%swap3A_169, %swap3A_170], %select_n3A_168 {strides = array<i32>} : memref<256x1024xf32, #tpu.memory_space<vmem>>, vector<256x1024xf32>,
    %jit3A_172 = arith.constant 1.024000e+03 : f32
    %broadcast_in_dim3A_173 = vector.broadcast %jit3A_172 : f32 to vector<256x1024xf32>
    %select_n3A_174 = arith.select %eq3A_165, %convert_element_type3A, %broadcast_in_dim3A_173 : vector<256x1024xi1>, vector<256x1024xf32>
    %reduce_min3A_175 = arith.constant dense<0x7F800000> : vector<256xf32>
    %reduce_min3A_176 = vector.multi_reduction <minimumf>, %select_n3A_174, %reduce_min3A_175 [1] : vector<256x1024xf32> to vector<256xf32>
    %broadcast_in_dim3A_177 = vector.shape_cast %reduce_min3A_176 : vector<256xf32> to vector<256x1xf32>
    %convert_element_type3A_178 = arith.fptosi %broadcast_in_dim3A_177 : vector<256x1xf32> to vector<256x1xi32>
    %swap3A_179 = arith.constant 0 : index
    %swap3A_180 = arith.constant 0 : index
    %swap3A_181 = arith.constant 4 : index
    %swap3A_182 = vector.load %arg4[%swap3A_179, %swap3A_180, %swap3A_181] : memref<1x256x128xi32, #tpu.memory_space<vmem>>, vector<1x256x1xi32>
    %swap3A_183 = vector.shape_cast %swap3A_182 : vector<1x256x1xi32> to vector<256x1xi32>
    %swap3A_184 = vector.shape_cast %convert_element_type3A_178 : vector<256x1xi32> to vector<1x256x1xi32>
    tpu.vector_store %arg4[%swap3A_179, %swap3A_180, %swap3A_181], %swap3A_184 {strides = array<i32>} : memref<1x256x128xi32, #tpu.memory_space<vmem>>, vector<1x256x1xi32>,
    %get3A_185 = arith.constant 0 : index
    %get3A_186 = arith.constant 0 : index
    %get3A_187 = vector.load %arg5[%get3A_185, %get3A_186] : memref<256x1024xf32, #tpu.memory_space<vmem>>, vector<256x1024xf32>
    %reduce_min3A_188 = arith.constant dense<0x7F800000> : vector<256xf32>
    %reduce_min3A_189 = vector.multi_reduction <minimumf>, %get3A_187, %reduce_min3A_188 [1] : vector<256x1024xf32> to vector<256xf32>
    %broadcast_in_dim3A_190 = vector.shape_cast %reduce_min3A_189 : vector<256xf32> to vector<256x1xf32>
    %eq3A_191 = vector.broadcast %broadcast_in_dim3A_190 : vector<256x1xf32> to vector<256x1024xf32>
    %eq3A_192 = arith.cmpf oeq, %get3A_187, %eq3A_191 : vector<256x1024xf32>
    %jit3A_193 = arith.constant 3.000000e+38 : f32
    %broadcast_in_dim3A_194 = vector.broadcast %jit3A_193 : f32 to vector<256x1024xf32>
    %select_n3A_195 = arith.select %eq3A_192, %broadcast_in_dim3A_194, %get3A_187 : vector<256x1024xi1>, vector<256x1024xf32>
    %swap3A_196 = arith.constant 0 : index
    %swap3A_197 = arith.constant 0 : index
    %swap3A_198 = vector.load %arg5[%swap3A_196, %swap3A_197] : memref<256x1024xf32, #tpu.memory_space<vmem>>, vector<256x1024xf32>
    tpu.vector_store %arg5[%swap3A_196, %swap3A_197], %select_n3A_195 {strides = array<i32>} : memref<256x1024xf32, #tpu.memory_space<vmem>>, vector<256x1024xf32>,
    %jit3A_199 = arith.constant 1.024000e+03 : f32
    %broadcast_in_dim3A_200 = vector.broadcast %jit3A_199 : f32 to vector<256x1024xf32>
    %select_n3A_201 = arith.select %eq3A_192, %convert_element_type3A, %broadcast_in_dim3A_200 : vector<256x1024xi1>, vector<256x1024xf32>
    %reduce_min3A_202 = arith.constant dense<0x7F800000> : vector<256xf32>
    %reduce_min3A_203 = vector.multi_reduction <minimumf>, %select_n3A_201, %reduce_min3A_202 [1] : vector<256x1024xf32> to vector<256xf32>
    %broadcast_in_dim3A_204 = vector.shape_cast %reduce_min3A_203 : vector<256xf32> to vector<256x1xf32>
    %convert_element_type3A_205 = arith.fptosi %broadcast_in_dim3A_204 : vector<256x1xf32> to vector<256x1xi32>
    %swap3A_206 = arith.constant 0 : index
    %swap3A_207 = arith.constant 0 : index
    %swap3A_208 = arith.constant 5 : index
    %swap3A_209 = vector.load %arg4[%swap3A_206, %swap3A_207, %swap3A_208] : memref<1x256x128xi32, #tpu.memory_space<vmem>>, vector<1x256x1xi32>
    %swap3A_210 = vector.shape_cast %swap3A_209 : vector<1x256x1xi32> to vector<256x1xi32>
    %swap3A_211 = vector.shape_cast %convert_element_type3A_205 : vector<256x1xi32> to vector<1x256x1xi32>
    tpu.vector_store %arg4[%swap3A_206, %swap3A_207, %swap3A_208], %swap3A_211 {strides = array<i32>} : memref<1x256x128xi32, #tpu.memory_space<vmem>>, vector<1x256x1xi32>,
    %get3A_212 = arith.constant 0 : index
    %get3A_213 = arith.constant 0 : index
    %get3A_214 = vector.load %arg5[%get3A_212, %get3A_213] : memref<256x1024xf32, #tpu.memory_space<vmem>>, vector<256x1024xf32>
    %reduce_min3A_215 = arith.constant dense<0x7F800000> : vector<256xf32>
    %reduce_min3A_216 = vector.multi_reduction <minimumf>, %get3A_214, %reduce_min3A_215 [1] : vector<256x1024xf32> to vector<256xf32>
    %broadcast_in_dim3A_217 = vector.shape_cast %reduce_min3A_216 : vector<256xf32> to vector<256x1xf32>
    %eq3A_218 = vector.broadcast %broadcast_in_dim3A_217 : vector<256x1xf32> to vector<256x1024xf32>
    %eq3A_219 = arith.cmpf oeq, %get3A_214, %eq3A_218 : vector<256x1024xf32>
    %jit3A_220 = arith.constant 3.000000e+38 : f32
    %broadcast_in_dim3A_221 = vector.broadcast %jit3A_220 : f32 to vector<256x1024xf32>
    %select_n3A_222 = arith.select %eq3A_219, %broadcast_in_dim3A_221, %get3A_214 : vector<256x1024xi1>, vector<256x1024xf32>
    %swap3A_223 = arith.constant 0 : index
    %swap3A_224 = arith.constant 0 : index
    %swap3A_225 = vector.load %arg5[%swap3A_223, %swap3A_224] : memref<256x1024xf32, #tpu.memory_space<vmem>>, vector<256x1024xf32>
    tpu.vector_store %arg5[%swap3A_223, %swap3A_224], %select_n3A_222 {strides = array<i32>} : memref<256x1024xf32, #tpu.memory_space<vmem>>, vector<256x1024xf32>,
    %jit3A_226 = arith.constant 1.024000e+03 : f32
    %broadcast_in_dim3A_227 = vector.broadcast %jit3A_226 : f32 to vector<256x1024xf32>
    %select_n3A_228 = arith.select %eq3A_219, %convert_element_type3A, %broadcast_in_dim3A_227 : vector<256x1024xi1>, vector<256x1024xf32>
    %reduce_min3A_229 = arith.constant dense<0x7F800000> : vector<256xf32>
    %reduce_min3A_230 = vector.multi_reduction <minimumf>, %select_n3A_228, %reduce_min3A_229 [1] : vector<256x1024xf32> to vector<256xf32>
    %broadcast_in_dim3A_231 = vector.shape_cast %reduce_min3A_230 : vector<256xf32> to vector<256x1xf32>
    %convert_element_type3A_232 = arith.fptosi %broadcast_in_dim3A_231 : vector<256x1xf32> to vector<256x1xi32>
    %swap3A_233 = arith.constant 0 : index
    %swap3A_234 = arith.constant 0 : index
    %swap3A_235 = arith.constant 6 : index
    %swap3A_236 = vector.load %arg4[%swap3A_233, %swap3A_234, %swap3A_235] : memref<1x256x128xi32, #tpu.memory_space<vmem>>, vector<1x256x1xi32>
    %swap3A_237 = vector.shape_cast %swap3A_236 : vector<1x256x1xi32> to vector<256x1xi32>
    %swap3A_238 = vector.shape_cast %convert_element_type3A_232 : vector<256x1xi32> to vector<1x256x1xi32>
    tpu.vector_store %arg4[%swap3A_233, %swap3A_234, %swap3A_235], %swap3A_238 {strides = array<i32>} : memref<1x256x128xi32, #tpu.memory_space<vmem>>, vector<1x256x1xi32>,
    %get3A_239 = arith.constant 0 : index
    %get3A_240 = arith.constant 0 : index
    %get3A_241 = vector.load %arg5[%get3A_239, %get3A_240] : memref<256x1024xf32, #tpu.memory_space<vmem>>, vector<256x1024xf32>
    %reduce_min3A_242 = arith.constant dense<0x7F800000> : vector<256xf32>
    %reduce_min3A_243 = vector.multi_reduction <minimumf>, %get3A_241, %reduce_min3A_242 [1] : vector<256x1024xf32> to vector<256xf32>
    %broadcast_in_dim3A_244 = vector.shape_cast %reduce_min3A_243 : vector<256xf32> to vector<256x1xf32>
    %eq3A_245 = vector.broadcast %broadcast_in_dim3A_244 : vector<256x1xf32> to vector<256x1024xf32>
    %eq3A_246 = arith.cmpf oeq, %get3A_241, %eq3A_245 : vector<256x1024xf32>
    %jit3A_247 = arith.constant 3.000000e+38 : f32
    %broadcast_in_dim3A_248 = vector.broadcast %jit3A_247 : f32 to vector<256x1024xf32>
    %select_n3A_249 = arith.select %eq3A_246, %broadcast_in_dim3A_248, %get3A_241 : vector<256x1024xi1>, vector<256x1024xf32>
    %swap3A_250 = arith.constant 0 : index
    %swap3A_251 = arith.constant 0 : index
    %swap3A_252 = vector.load %arg5[%swap3A_250, %swap3A_251] : memref<256x1024xf32, #tpu.memory_space<vmem>>, vector<256x1024xf32>
    tpu.vector_store %arg5[%swap3A_250, %swap3A_251], %select_n3A_249 {strides = array<i32>} : memref<256x1024xf32, #tpu.memory_space<vmem>>, vector<256x1024xf32>,
    %jit3A_253 = arith.constant 1.024000e+03 : f32
    %broadcast_in_dim3A_254 = vector.broadcast %jit3A_253 : f32 to vector<256x1024xf32>
    %select_n3A_255 = arith.select %eq3A_246, %convert_element_type3A, %broadcast_in_dim3A_254 : vector<256x1024xi1>, vector<256x1024xf32>
    %reduce_min3A_256 = arith.constant dense<0x7F800000> : vector<256xf32>
    %reduce_min3A_257 = vector.multi_reduction <minimumf>, %select_n3A_255, %reduce_min3A_256 [1] : vector<256x1024xf32> to vector<256xf32>
    %broadcast_in_dim3A_258 = vector.shape_cast %reduce_min3A_257 : vector<256xf32> to vector<256x1xf32>
    %convert_element_type3A_259 = arith.fptosi %broadcast_in_dim3A_258 : vector<256x1xf32> to vector<256x1xi32>
    %swap3A_260 = arith.constant 0 : index
    %swap3A_261 = arith.constant 0 : index
    %swap3A_262 = arith.constant 7 : index
    %swap3A_263 = vector.load %arg4[%swap3A_260, %swap3A_261, %swap3A_262] : memref<1x256x128xi32, #tpu.memory_space<vmem>>, vector<1x256x1xi32>
    %swap3A_264 = vector.shape_cast %swap3A_263 : vector<1x256x1xi32> to vector<256x1xi32>
    %swap3A_265 = vector.shape_cast %convert_element_type3A_259 : vector<256x1xi32> to vector<1x256x1xi32>
    tpu.vector_store %arg4[%swap3A_260, %swap3A_261, %swap3A_262], %swap3A_265 {strides = array<i32>} : memref<1x256x128xi32, #tpu.memory_space<vmem>>, vector<1x256x1xi32>,
    %get3A_266 = arith.constant 0 : index
    %get3A_267 = arith.constant 0 : index
    %get3A_268 = vector.load %arg5[%get3A_266, %get3A_267] : memref<256x1024xf32, #tpu.memory_space<vmem>>, vector<256x1024xf32>
    %reduce_min3A_269 = arith.constant dense<0x7F800000> : vector<256xf32>
    %reduce_min3A_270 = vector.multi_reduction <minimumf>, %get3A_268, %reduce_min3A_269 [1] : vector<256x1024xf32> to vector<256xf32>
    %broadcast_in_dim3A_271 = vector.shape_cast %reduce_min3A_270 : vector<256xf32> to vector<256x1xf32>
    %eq3A_272 = vector.broadcast %broadcast_in_dim3A_271 : vector<256x1xf32> to vector<256x1024xf32>
    %eq3A_273 = arith.cmpf oeq, %get3A_268, %eq3A_272 : vector<256x1024xf32>
    %jit3A_274 = arith.constant 3.000000e+38 : f32
    %broadcast_in_dim3A_275 = vector.broadcast %jit3A_274 : f32 to vector<256x1024xf32>
    %select_n3A_276 = arith.select %eq3A_273, %broadcast_in_dim3A_275, %get3A_268 : vector<256x1024xi1>, vector<256x1024xf32>
    %swap3A_277 = arith.constant 0 : index
    %swap3A_278 = arith.constant 0 : index
    %swap3A_279 = vector.load %arg5[%swap3A_277, %swap3A_278] : memref<256x1024xf32, #tpu.memory_space<vmem>>, vector<256x1024xf32>
    tpu.vector_store %arg5[%swap3A_277, %swap3A_278], %select_n3A_276 {strides = array<i32>} : memref<256x1024xf32, #tpu.memory_space<vmem>>, vector<256x1024xf32>,
    %jit3A_280 = arith.constant 1.024000e+03 : f32
    %broadcast_in_dim3A_281 = vector.broadcast %jit3A_280 : f32 to vector<256x1024xf32>
    %select_n3A_282 = arith.select %eq3A_273, %convert_element_type3A, %broadcast_in_dim3A_281 : vector<256x1024xi1>, vector<256x1024xf32>
    %reduce_min3A_283 = arith.constant dense<0x7F800000> : vector<256xf32>
    %reduce_min3A_284 = vector.multi_reduction <minimumf>, %select_n3A_282, %reduce_min3A_283 [1] : vector<256x1024xf32> to vector<256xf32>
    %broadcast_in_dim3A_285 = vector.shape_cast %reduce_min3A_284 : vector<256xf32> to vector<256x1xf32>
    %convert_element_type3A_286 = arith.fptosi %broadcast_in_dim3A_285 : vector<256x1xf32> to vector<256x1xi32>
    %swap3A_287 = arith.constant 0 : index
    %swap3A_288 = arith.constant 0 : index
    %swap3A_289 = arith.constant 8 : index
    %swap3A_290 = vector.load %arg4[%swap3A_287, %swap3A_288, %swap3A_289] : memref<1x256x128xi32, #tpu.memory_space<vmem>>, vector<1x256x1xi32>
    %swap3A_291 = vector.shape_cast %swap3A_290 : vector<1x256x1xi32> to vector<256x1xi32>
    %swap3A_292 = vector.shape_cast %convert_element_type3A_286 : vector<256x1xi32> to vector<1x256x1xi32>
    tpu.vector_store %arg4[%swap3A_287, %swap3A_288, %swap3A_289], %swap3A_292 {strides = array<i32>} : memref<1x256x128xi32, #tpu.memory_space<vmem>>, vector<1x256x1xi32>,
    %get3A_293 = arith.constant 0 : index
    %get3A_294 = arith.constant 0 : index
    %get3A_295 = vector.load %arg5[%get3A_293, %get3A_294] : memref<256x1024xf32, #tpu.memory_space<vmem>>, vector<256x1024xf32>
    %reduce_min3A_296 = arith.constant dense<0x7F800000> : vector<256xf32>
    %reduce_min3A_297 = vector.multi_reduction <minimumf>, %get3A_295, %reduce_min3A_296 [1] : vector<256x1024xf32> to vector<256xf32>
    %broadcast_in_dim3A_298 = vector.shape_cast %reduce_min3A_297 : vector<256xf32> to vector<256x1xf32>
    %eq3A_299 = vector.broadcast %broadcast_in_dim3A_298 : vector<256x1xf32> to vector<256x1024xf32>
    %eq3A_300 = arith.cmpf oeq, %get3A_295, %eq3A_299 : vector<256x1024xf32>
    %jit3A_301 = arith.constant 3.000000e+38 : f32
    %broadcast_in_dim3A_302 = vector.broadcast %jit3A_301 : f32 to vector<256x1024xf32>
    %select_n3A_303 = arith.select %eq3A_300, %broadcast_in_dim3A_302, %get3A_295 : vector<256x1024xi1>, vector<256x1024xf32>
    %swap3A_304 = arith.constant 0 : index
    %swap3A_305 = arith.constant 0 : index
    %swap3A_306 = vector.load %arg5[%swap3A_304, %swap3A_305] : memref<256x1024xf32, #tpu.memory_space<vmem>>, vector<256x1024xf32>
    tpu.vector_store %arg5[%swap3A_304, %swap3A_305], %select_n3A_303 {strides = array<i32>} : memref<256x1024xf32, #tpu.memory_space<vmem>>, vector<256x1024xf32>,
    %jit3A_307 = arith.constant 1.024000e+03 : f32
    %broadcast_in_dim3A_308 = vector.broadcast %jit3A_307 : f32 to vector<256x1024xf32>
    %select_n3A_309 = arith.select %eq3A_300, %convert_element_type3A, %broadcast_in_dim3A_308 : vector<256x1024xi1>, vector<256x1024xf32>
    %reduce_min3A_310 = arith.constant dense<0x7F800000> : vector<256xf32>
    %reduce_min3A_311 = vector.multi_reduction <minimumf>, %select_n3A_309, %reduce_min3A_310 [1] : vector<256x1024xf32> to vector<256xf32>
    %broadcast_in_dim3A_312 = vector.shape_cast %reduce_min3A_311 : vector<256xf32> to vector<256x1xf32>
    %convert_element_type3A_313 = arith.fptosi %broadcast_in_dim3A_312 : vector<256x1xf32> to vector<256x1xi32>
    %swap3A_314 = arith.constant 0 : index
    %swap3A_315 = arith.constant 0 : index
    %swap3A_316 = arith.constant 9 : index
    %swap3A_317 = vector.load %arg4[%swap3A_314, %swap3A_315, %swap3A_316] : memref<1x256x128xi32, #tpu.memory_space<vmem>>, vector<1x256x1xi32>
    %swap3A_318 = vector.shape_cast %swap3A_317 : vector<1x256x1xi32> to vector<256x1xi32>
    %swap3A_319 = vector.shape_cast %convert_element_type3A_313 : vector<256x1xi32> to vector<1x256x1xi32>
    tpu.vector_store %arg4[%swap3A_314, %swap3A_315, %swap3A_316], %swap3A_319 {strides = array<i32>} : memref<1x256x128xi32, #tpu.memory_space<vmem>>, vector<1x256x1xi32>,
    %get3A_320 = arith.constant 0 : index
    %get3A_321 = arith.constant 0 : index
    %get3A_322 = vector.load %arg5[%get3A_320, %get3A_321] : memref<256x1024xf32, #tpu.memory_space<vmem>>, vector<256x1024xf32>
    %reduce_min3A_323 = arith.constant dense<0x7F800000> : vector<256xf32>
    %reduce_min3A_324 = vector.multi_reduction <minimumf>, %get3A_322, %reduce_min3A_323 [1] : vector<256x1024xf32> to vector<256xf32>
    %broadcast_in_dim3A_325 = vector.shape_cast %reduce_min3A_324 : vector<256xf32> to vector<256x1xf32>
    %eq3A_326 = vector.broadcast %broadcast_in_dim3A_325 : vector<256x1xf32> to vector<256x1024xf32>
    %eq3A_327 = arith.cmpf oeq, %get3A_322, %eq3A_326 : vector<256x1024xf32>
    %jit3A_328 = arith.constant 3.000000e+38 : f32
    %broadcast_in_dim3A_329 = vector.broadcast %jit3A_328 : f32 to vector<256x1024xf32>
    %select_n3A_330 = arith.select %eq3A_327, %broadcast_in_dim3A_329, %get3A_322 : vector<256x1024xi1>, vector<256x1024xf32>
    %swap3A_331 = arith.constant 0 : index
    %swap3A_332 = arith.constant 0 : index
    %swap3A_333 = vector.load %arg5[%swap3A_331, %swap3A_332] : memref<256x1024xf32, #tpu.memory_space<vmem>>, vector<256x1024xf32>
    tpu.vector_store %arg5[%swap3A_331, %swap3A_332], %select_n3A_330 {strides = array<i32>} : memref<256x1024xf32, #tpu.memory_space<vmem>>, vector<256x1024xf32>,
    %jit3A_334 = arith.constant 1.024000e+03 : f32
    %broadcast_in_dim3A_335 = vector.broadcast %jit3A_334 : f32 to vector<256x1024xf32>
    %select_n3A_336 = arith.select %eq3A_327, %convert_element_type3A, %broadcast_in_dim3A_335 : vector<256x1024xi1>, vector<256x1024xf32>
    %reduce_min3A_337 = arith.constant dense<0x7F800000> : vector<256xf32>
    %reduce_min3A_338 = vector.multi_reduction <minimumf>, %select_n3A_336, %reduce_min3A_337 [1] : vector<256x1024xf32> to vector<256xf32>
    %broadcast_in_dim3A_339 = vector.shape_cast %reduce_min3A_338 : vector<256xf32> to vector<256x1xf32>
    %convert_element_type3A_340 = arith.fptosi %broadcast_in_dim3A_339 : vector<256x1xf32> to vector<256x1xi32>
    %swap3A_341 = arith.constant 0 : index
    %swap3A_342 = arith.constant 0 : index
    %swap3A_343 = arith.constant 10 : index
    %swap3A_344 = vector.load %arg4[%swap3A_341, %swap3A_342, %swap3A_343] : memref<1x256x128xi32, #tpu.memory_space<vmem>>, vector<1x256x1xi32>
    %swap3A_345 = vector.shape_cast %swap3A_344 : vector<1x256x1xi32> to vector<256x1xi32>
    %swap3A_346 = vector.shape_cast %convert_element_type3A_340 : vector<256x1xi32> to vector<1x256x1xi32>
    tpu.vector_store %arg4[%swap3A_341, %swap3A_342, %swap3A_343], %swap3A_346 {strides = array<i32>} : memref<1x256x128xi32, #tpu.memory_space<vmem>>, vector<1x256x1xi32>,
    %get3A_347 = arith.constant 0 : index
    %get3A_348 = arith.constant 0 : index
    %get3A_349 = vector.load %arg5[%get3A_347, %get3A_348] : memref<256x1024xf32, #tpu.memory_space<vmem>>, vector<256x1024xf32>
    %reduce_min3A_350 = arith.constant dense<0x7F800000> : vector<256xf32>
    %reduce_min3A_351 = vector.multi_reduction <minimumf>, %get3A_349, %reduce_min3A_350 [1] : vector<256x1024xf32> to vector<256xf32>
    %broadcast_in_dim3A_352 = vector.shape_cast %reduce_min3A_351 : vector<256xf32> to vector<256x1xf32>
    %eq3A_353 = vector.broadcast %broadcast_in_dim3A_352 : vector<256x1xf32> to vector<256x1024xf32>
    %eq3A_354 = arith.cmpf oeq, %get3A_349, %eq3A_353 : vector<256x1024xf32>
    %jit3A_355 = arith.constant 3.000000e+38 : f32
    %broadcast_in_dim3A_356 = vector.broadcast %jit3A_355 : f32 to vector<256x1024xf32>
    %select_n3A_357 = arith.select %eq3A_354, %broadcast_in_dim3A_356, %get3A_349 : vector<256x1024xi1>, vector<256x1024xf32>
    %swap3A_358 = arith.constant 0 : index
    %swap3A_359 = arith.constant 0 : index
    %swap3A_360 = vector.load %arg5[%swap3A_358, %swap3A_359] : memref<256x1024xf32, #tpu.memory_space<vmem>>, vector<256x1024xf32>
    tpu.vector_store %arg5[%swap3A_358, %swap3A_359], %select_n3A_357 {strides = array<i32>} : memref<256x1024xf32, #tpu.memory_space<vmem>>, vector<256x1024xf32>,
    %jit3A_361 = arith.constant 1.024000e+03 : f32
    %broadcast_in_dim3A_362 = vector.broadcast %jit3A_361 : f32 to vector<256x1024xf32>
    %select_n3A_363 = arith.select %eq3A_354, %convert_element_type3A, %broadcast_in_dim3A_362 : vector<256x1024xi1>, vector<256x1024xf32>
    %reduce_min3A_364 = arith.constant dense<0x7F800000> : vector<256xf32>
    %reduce_min3A_365 = vector.multi_reduction <minimumf>, %select_n3A_363, %reduce_min3A_364 [1] : vector<256x1024xf32> to vector<256xf32>
    %broadcast_in_dim3A_366 = vector.shape_cast %reduce_min3A_365 : vector<256xf32> to vector<256x1xf32>
    %convert_element_type3A_367 = arith.fptosi %broadcast_in_dim3A_366 : vector<256x1xf32> to vector<256x1xi32>
    %swap3A_368 = arith.constant 0 : index
    %swap3A_369 = arith.constant 0 : index
    %swap3A_370 = arith.constant 11 : index
    %swap3A_371 = vector.load %arg4[%swap3A_368, %swap3A_369, %swap3A_370] : memref<1x256x128xi32, #tpu.memory_space<vmem>>, vector<1x256x1xi32>
    %swap3A_372 = vector.shape_cast %swap3A_371 : vector<1x256x1xi32> to vector<256x1xi32>
    %swap3A_373 = vector.shape_cast %convert_element_type3A_367 : vector<256x1xi32> to vector<1x256x1xi32>
    tpu.vector_store %arg4[%swap3A_368, %swap3A_369, %swap3A_370], %swap3A_373 {strides = array<i32>} : memref<1x256x128xi32, #tpu.memory_space<vmem>>, vector<1x256x1xi32>,
    %get3A_374 = arith.constant 0 : index
    %get3A_375 = arith.constant 0 : index
    %get3A_376 = vector.load %arg5[%get3A_374, %get3A_375] : memref<256x1024xf32, #tpu.memory_space<vmem>>, vector<256x1024xf32>
    %reduce_min3A_377 = arith.constant dense<0x7F800000> : vector<256xf32>
    %reduce_min3A_378 = vector.multi_reduction <minimumf>, %get3A_376, %reduce_min3A_377 [1] : vector<256x1024xf32> to vector<256xf32>
    %broadcast_in_dim3A_379 = vector.shape_cast %reduce_min3A_378 : vector<256xf32> to vector<256x1xf32>
    %eq3A_380 = vector.broadcast %broadcast_in_dim3A_379 : vector<256x1xf32> to vector<256x1024xf32>
    %eq3A_381 = arith.cmpf oeq, %get3A_376, %eq3A_380 : vector<256x1024xf32>
    %jit3A_382 = arith.constant 3.000000e+38 : f32
    %broadcast_in_dim3A_383 = vector.broadcast %jit3A_382 : f32 to vector<256x1024xf32>
    %select_n3A_384 = arith.select %eq3A_381, %broadcast_in_dim3A_383, %get3A_376 : vector<256x1024xi1>, vector<256x1024xf32>
    %swap3A_385 = arith.constant 0 : index
    %swap3A_386 = arith.constant 0 : index
    %swap3A_387 = vector.load %arg5[%swap3A_385, %swap3A_386] : memref<256x1024xf32, #tpu.memory_space<vmem>>, vector<256x1024xf32>
    tpu.vector_store %arg5[%swap3A_385, %swap3A_386], %select_n3A_384 {strides = array<i32>} : memref<256x1024xf32, #tpu.memory_space<vmem>>, vector<256x1024xf32>,
    %jit3A_388 = arith.constant 1.024000e+03 : f32
    %broadcast_in_dim3A_389 = vector.broadcast %jit3A_388 : f32 to vector<256x1024xf32>
    %select_n3A_390 = arith.select %eq3A_381, %convert_element_type3A, %broadcast_in_dim3A_389 : vector<256x1024xi1>, vector<256x1024xf32>
    %reduce_min3A_391 = arith.constant dense<0x7F800000> : vector<256xf32>
    %reduce_min3A_392 = vector.multi_reduction <minimumf>, %select_n3A_390, %reduce_min3A_391 [1] : vector<256x1024xf32> to vector<256xf32>
    %broadcast_in_dim3A_393 = vector.shape_cast %reduce_min3A_392 : vector<256xf32> to vector<256x1xf32>
    %convert_element_type3A_394 = arith.fptosi %broadcast_in_dim3A_393 : vector<256x1xf32> to vector<256x1xi32>
    %swap3A_395 = arith.constant 0 : index
    %swap3A_396 = arith.constant 0 : index
    %swap3A_397 = arith.constant 12 : index
    %swap3A_398 = vector.load %arg4[%swap3A_395, %swap3A_396, %swap3A_397] : memref<1x256x128xi32, #tpu.memory_space<vmem>>, vector<1x256x1xi32>
    %swap3A_399 = vector.shape_cast %swap3A_398 : vector<1x256x1xi32> to vector<256x1xi32>
    %swap3A_400 = vector.shape_cast %convert_element_type3A_394 : vector<256x1xi32> to vector<1x256x1xi32>
    tpu.vector_store %arg4[%swap3A_395, %swap3A_396, %swap3A_397], %swap3A_400 {strides = array<i32>} : memref<1x256x128xi32, #tpu.memory_space<vmem>>, vector<1x256x1xi32>,
    %get3A_401 = arith.constant 0 : index
    %get3A_402 = arith.constant 0 : index
    %get3A_403 = vector.load %arg5[%get3A_401, %get3A_402] : memref<256x1024xf32, #tpu.memory_space<vmem>>, vector<256x1024xf32>
    %reduce_min3A_404 = arith.constant dense<0x7F800000> : vector<256xf32>
    %reduce_min3A_405 = vector.multi_reduction <minimumf>, %get3A_403, %reduce_min3A_404 [1] : vector<256x1024xf32> to vector<256xf32>
    %broadcast_in_dim3A_406 = vector.shape_cast %reduce_min3A_405 : vector<256xf32> to vector<256x1xf32>
    %eq3A_407 = vector.broadcast %broadcast_in_dim3A_406 : vector<256x1xf32> to vector<256x1024xf32>
    %eq3A_408 = arith.cmpf oeq, %get3A_403, %eq3A_407 : vector<256x1024xf32>
    %jit3A_409 = arith.constant 3.000000e+38 : f32
    %broadcast_in_dim3A_410 = vector.broadcast %jit3A_409 : f32 to vector<256x1024xf32>
    %select_n3A_411 = arith.select %eq3A_408, %broadcast_in_dim3A_410, %get3A_403 : vector<256x1024xi1>, vector<256x1024xf32>
    %swap3A_412 = arith.constant 0 : index
    %swap3A_413 = arith.constant 0 : index
    %swap3A_414 = vector.load %arg5[%swap3A_412, %swap3A_413] : memref<256x1024xf32, #tpu.memory_space<vmem>>, vector<256x1024xf32>
    tpu.vector_store %arg5[%swap3A_412, %swap3A_413], %select_n3A_411 {strides = array<i32>} : memref<256x1024xf32, #tpu.memory_space<vmem>>, vector<256x1024xf32>,
    %jit3A_415 = arith.constant 1.024000e+03 : f32
    %broadcast_in_dim3A_416 = vector.broadcast %jit3A_415 : f32 to vector<256x1024xf32>
    %select_n3A_417 = arith.select %eq3A_408, %convert_element_type3A, %broadcast_in_dim3A_416 : vector<256x1024xi1>, vector<256x1024xf32>
    %reduce_min3A_418 = arith.constant dense<0x7F800000> : vector<256xf32>
    %reduce_min3A_419 = vector.multi_reduction <minimumf>, %select_n3A_417, %reduce_min3A_418 [1] : vector<256x1024xf32> to vector<256xf32>
    %broadcast_in_dim3A_420 = vector.shape_cast %reduce_min3A_419 : vector<256xf32> to vector<256x1xf32>
    %convert_element_type3A_421 = arith.fptosi %broadcast_in_dim3A_420 : vector<256x1xf32> to vector<256x1xi32>
    %swap3A_422 = arith.constant 0 : index
    %swap3A_423 = arith.constant 0 : index
    %swap3A_424 = arith.constant 13 : index
    %swap3A_425 = vector.load %arg4[%swap3A_422, %swap3A_423, %swap3A_424] : memref<1x256x128xi32, #tpu.memory_space<vmem>>, vector<1x256x1xi32>
    %swap3A_426 = vector.shape_cast %swap3A_425 : vector<1x256x1xi32> to vector<256x1xi32>
    %swap3A_427 = vector.shape_cast %convert_element_type3A_421 : vector<256x1xi32> to vector<1x256x1xi32>
    tpu.vector_store %arg4[%swap3A_422, %swap3A_423, %swap3A_424], %swap3A_427 {strides = array<i32>} : memref<1x256x128xi32, #tpu.memory_space<vmem>>, vector<1x256x1xi32>,
    %get3A_428 = arith.constant 0 : index
    %get3A_429 = arith.constant 0 : index
    %get3A_430 = vector.load %arg5[%get3A_428, %get3A_429] : memref<256x1024xf32, #tpu.memory_space<vmem>>, vector<256x1024xf32>
    %reduce_min3A_431 = arith.constant dense<0x7F800000> : vector<256xf32>
    %reduce_min3A_432 = vector.multi_reduction <minimumf>, %get3A_430, %reduce_min3A_431 [1] : vector<256x1024xf32> to vector<256xf32>
    %broadcast_in_dim3A_433 = vector.shape_cast %reduce_min3A_432 : vector<256xf32> to vector<256x1xf32>
    %eq3A_434 = vector.broadcast %broadcast_in_dim3A_433 : vector<256x1xf32> to vector<256x1024xf32>
    %eq3A_435 = arith.cmpf oeq, %get3A_430, %eq3A_434 : vector<256x1024xf32>
    %jit3A_436 = arith.constant 3.000000e+38 : f32
    %broadcast_in_dim3A_437 = vector.broadcast %jit3A_436 : f32 to vector<256x1024xf32>
    %select_n3A_438 = arith.select %eq3A_435, %broadcast_in_dim3A_437, %get3A_430 : vector<256x1024xi1>, vector<256x1024xf32>
    %swap3A_439 = arith.constant 0 : index
    %swap3A_440 = arith.constant 0 : index
    %swap3A_441 = vector.load %arg5[%swap3A_439, %swap3A_440] : memref<256x1024xf32, #tpu.memory_space<vmem>>, vector<256x1024xf32>
    tpu.vector_store %arg5[%swap3A_439, %swap3A_440], %select_n3A_438 {strides = array<i32>} : memref<256x1024xf32, #tpu.memory_space<vmem>>, vector<256x1024xf32>,
    %jit3A_442 = arith.constant 1.024000e+03 : f32
    %broadcast_in_dim3A_443 = vector.broadcast %jit3A_442 : f32 to vector<256x1024xf32>
    %select_n3A_444 = arith.select %eq3A_435, %convert_element_type3A, %broadcast_in_dim3A_443 : vector<256x1024xi1>, vector<256x1024xf32>
    %reduce_min3A_445 = arith.constant dense<0x7F800000> : vector<256xf32>
    %reduce_min3A_446 = vector.multi_reduction <minimumf>, %select_n3A_444, %reduce_min3A_445 [1] : vector<256x1024xf32> to vector<256xf32>
    %broadcast_in_dim3A_447 = vector.shape_cast %reduce_min3A_446 : vector<256xf32> to vector<256x1xf32>
    %convert_element_type3A_448 = arith.fptosi %broadcast_in_dim3A_447 : vector<256x1xf32> to vector<256x1xi32>
    %swap3A_449 = arith.constant 0 : index
    %swap3A_450 = arith.constant 0 : index
    %swap3A_451 = arith.constant 14 : index
    %swap3A_452 = vector.load %arg4[%swap3A_449, %swap3A_450, %swap3A_451] : memref<1x256x128xi32, #tpu.memory_space<vmem>>, vector<1x256x1xi32>
    %swap3A_453 = vector.shape_cast %swap3A_452 : vector<1x256x1xi32> to vector<256x1xi32>
    %swap3A_454 = vector.shape_cast %convert_element_type3A_448 : vector<256x1xi32> to vector<1x256x1xi32>
    tpu.vector_store %arg4[%swap3A_449, %swap3A_450, %swap3A_451], %swap3A_454 {strides = array<i32>} : memref<1x256x128xi32, #tpu.memory_space<vmem>>, vector<1x256x1xi32>,
    %get3A_455 = arith.constant 0 : index
    %get3A_456 = arith.constant 0 : index
    %get3A_457 = vector.load %arg5[%get3A_455, %get3A_456] : memref<256x1024xf32, #tpu.memory_space<vmem>>, vector<256x1024xf32>
    %reduce_min3A_458 = arith.constant dense<0x7F800000> : vector<256xf32>
    %reduce_min3A_459 = vector.multi_reduction <minimumf>, %get3A_457, %reduce_min3A_458 [1] : vector<256x1024xf32> to vector<256xf32>
    %broadcast_in_dim3A_460 = vector.shape_cast %reduce_min3A_459 : vector<256xf32> to vector<256x1xf32>
    %eq3A_461 = vector.broadcast %broadcast_in_dim3A_460 : vector<256x1xf32> to vector<256x1024xf32>
    %eq3A_462 = arith.cmpf oeq, %get3A_457, %eq3A_461 : vector<256x1024xf32>
    %jit3A_463 = arith.constant 3.000000e+38 : f32
    %broadcast_in_dim3A_464 = vector.broadcast %jit3A_463 : f32 to vector<256x1024xf32>
    %select_n3A_465 = arith.select %eq3A_462, %broadcast_in_dim3A_464, %get3A_457 : vector<256x1024xi1>, vector<256x1024xf32>
    %swap3A_466 = arith.constant 0 : index
    %swap3A_467 = arith.constant 0 : index
    %swap3A_468 = vector.load %arg5[%swap3A_466, %swap3A_467] : memref<256x1024xf32, #tpu.memory_space<vmem>>, vector<256x1024xf32>
    tpu.vector_store %arg5[%swap3A_466, %swap3A_467], %select_n3A_465 {strides = array<i32>} : memref<256x1024xf32, #tpu.memory_space<vmem>>, vector<256x1024xf32>,
    %jit3A_469 = arith.constant 1.024000e+03 : f32
    %broadcast_in_dim3A_470 = vector.broadcast %jit3A_469 : f32 to vector<256x1024xf32>
    %select_n3A_471 = arith.select %eq3A_462, %convert_element_type3A, %broadcast_in_dim3A_470 : vector<256x1024xi1>, vector<256x1024xf32>
    %reduce_min3A_472 = arith.constant dense<0x7F800000> : vector<256xf32>
    %reduce_min3A_473 = vector.multi_reduction <minimumf>, %select_n3A_471, %reduce_min3A_472 [1] : vector<256x1024xf32> to vector<256xf32>
    %broadcast_in_dim3A_474 = vector.shape_cast %reduce_min3A_473 : vector<256xf32> to vector<256x1xf32>
    %convert_element_type3A_475 = arith.fptosi %broadcast_in_dim3A_474 : vector<256x1xf32> to vector<256x1xi32>
    %swap3A_476 = arith.constant 0 : index
    %swap3A_477 = arith.constant 0 : index
    %swap3A_478 = arith.constant 15 : index
    %swap3A_479 = vector.load %arg4[%swap3A_476, %swap3A_477, %swap3A_478] : memref<1x256x128xi32, #tpu.memory_space<vmem>>, vector<1x256x1xi32>
    %swap3A_480 = vector.shape_cast %swap3A_479 : vector<1x256x1xi32> to vector<256x1xi32>
    %swap3A_481 = vector.shape_cast %convert_element_type3A_475 : vector<256x1xi32> to vector<1x256x1xi32>
    tpu.vector_store %arg4[%swap3A_476, %swap3A_477, %swap3A_478], %swap3A_481 {strides = array<i32>} : memref<1x256x128xi32, #tpu.memory_space<vmem>>, vector<1x256x1xi32>,
    return
  }
  func.func @transform_0(%arg0: i32, %arg1: i32) -> (i32, i32, i32) {
    %c0_i32 = arith.constant 0 : i32
    %c0_i32_0 = arith.constant 0 : i32
    %c0_i32_1 = arith.constant 0 : i32
    return %arg0, %c0_i32, %c0_i32_0 : i32, i32, i32
  }
  func.func @transform_1(%arg0: i32, %arg1: i32) -> (i32, i32, i32) {
    %c0_i32 = arith.constant 0 : i32
    %c0_i32_0 = arith.constant 0 : i32
    return %arg0, %arg1, %c0_i32 : i32, i32, i32
  }
  func.func @transform_2(%arg0: i32, %arg1: i32) -> (i32, i32, i32) {
    %c0_i32 = arith.constant 0 : i32
    %c0_i32_0 = arith.constant 0 : i32
    return %arg0, %arg1, %c0_i32 : i32, i32, i32
  }
}

module attributes {stable_mosaic.version = 14 : i64} {
  func.func @_l0_kernel(%arg0: i32, %arg1: i32, %arg2: memref<1x1x1024x128xf32, #tpu.memory_space<vmem>>, %arg3: memref<1x1024x64xf32, #tpu.memory_space<vmem>>, %arg4: memref<128x256xf32, #tpu.memory_space<vmem>>, %arg5: memref<64x256xf32, #tpu.memory_space<vmem>>, %arg6: memref<1x256xf32, #tpu.memory_space<vmem>>, %arg7: memref<1x1x1024x256xbf16, #tpu.memory_space<vmem>>, %arg8: memref<8x256xf32, #tpu.memory_space<vmem>>, %arg9: memref<1024x256xf32, #tpu.memory_space<vmem>>) attributes {dimension_semantics = [#tpu.dimension_semantics<arbitrary>, #tpu.dimension_semantics<arbitrary>], iteration_bounds = array<i64: 16, 16>, scalar_prefetch = 0 : i64, scratch_operands = 1 : i64, tpu.core_type = #tpu.core_type<tc>, window_params = [{transform_indices = @transform_0, window_bounds = array<i64: 1, 1, 1024, 128>}, {transform_indices = @transform_1, window_bounds = array<i64: 1, 1024, 64>}, {pipeline_mode = #tpu.pipeline_mode<synchronous>, transform_indices = @transform_2, window_bounds = array<i64: 128, 256>}, {pipeline_mode = #tpu.pipeline_mode<synchronous>, transform_indices = @transform_3, window_bounds = array<i64: 64, 256>}, {pipeline_mode = #tpu.pipeline_mode<synchronous>, transform_indices = @transform_4, window_bounds = array<i64: 1, 256>}, {transform_indices = @transform_5, window_bounds = array<i64: 1, 1, 1024, 256>}, {pipeline_mode = #tpu.pipeline_mode<synchronous>, transform_indices = @transform_6, window_bounds = array<i64: 8, 256>}]} {
    %eq3A = arith.constant 0 : i32
    %eq3A_0 = arith.cmpi eq, %arg1, %eq3A : i32
    %convert_element_type3A = arith.extui %eq3A_0 : i1 to i32
    %cond3A = arith.constant 0 : i32
    %cond3A_1 = arith.cmpi ne, %convert_element_type3A, %cond3A : i32
    scf.if %cond3A_1 {
      %get3A_48 = arith.constant 0 : index
      %get3A_49 = arith.constant 0 : index
      %get3A_50 = arith.constant 0 : index
      %get3A_51 = vector.load %arg3[%get3A_48, %get3A_49, %get3A_50] : memref<1x1024x64xf32, #tpu.memory_space<vmem>>, vector<1x1024x64xf32>
      %get3A_52 = vector.shape_cast %get3A_51 : vector<1x1024x64xf32> to vector<1024x64xf32>
      %get3A_53 = arith.constant 0 : index
      %get3A_54 = arith.constant 0 : index
      %get3A_55 = vector.load %arg5[%get3A_53, %get3A_54] : memref<64x256xf32, #tpu.memory_space<vmem>>, vector<64x256xf32>
      %dot_general3A_56 = arith.constant dense<0.000000e+00> : vector<1024x256xf32>
      %dot_general3A_57 = tpu.matmul %get3A_52, %get3A_55, %dot_general3A_56 {dimension_numbers = #tpu.dot_dimension_numbers<[1], [0], [0], [1], [0, 0, 1, 1], [], []>, transpose_lhs_hint = false} : vector<1024x64xf32>, vector<64x256xf32>, vector<1024x256xf32> -> vector<1024x256xf32>
      %get3A_58 = arith.constant 0 : index
      %get3A_59 = arith.constant 0 : index
      %get3A_60 = vector.load %arg6[%get3A_58, %get3A_59] : memref<1x256xf32, #tpu.memory_space<vmem>>, vector<1x256xf32>
      %add3A_61 = vector.broadcast %get3A_60 : vector<1x256xf32> to vector<1024x256xf32>
      %add3A_62 = arith.addf %dot_general3A_57, %add3A_61 : vector<1024x256xf32>
      %swap3A_63 = arith.constant 0 : index
      %swap3A_64 = arith.constant 0 : index
      %swap3A_65 = vector.load %arg9[%swap3A_63, %swap3A_64] : memref<1024x256xf32, #tpu.memory_space<vmem>>, vector<1024x256xf32>
      tpu.vector_store %arg9[%swap3A_63, %swap3A_64], %add3A_62 {strides = array<i32>} : memref<1024x256xf32, #tpu.memory_space<vmem>>, vector<1024x256xf32>,
    } else {
    }
    %get3A = arith.constant 0 : index
    %get3A_2 = arith.constant 0 : index
    %get3A_3 = arith.constant 0 : index
    %get3A_4 = arith.constant 0 : index
    %get3A_5 = vector.load %arg2[%get3A, %get3A_2, %get3A_3, %get3A_4] : memref<1x1x1024x128xf32, #tpu.memory_space<vmem>>, vector<1x1x1024x128xf32>
    %get3A_6 = vector.shape_cast %get3A_5 : vector<1x1x1024x128xf32> to vector<1024x128xf32>
    %get3A_7 = arith.constant 0 : index
    %get3A_8 = arith.constant 0 : index
    %get3A_9 = vector.load %arg4[%get3A_7, %get3A_8] : memref<128x256xf32, #tpu.memory_space<vmem>>, vector<128x256xf32>
    %dot_general3A = arith.constant dense<0.000000e+00> : vector<1024x256xf32>
    %dot_general3A_10 = tpu.matmul %get3A_6, %get3A_9, %dot_general3A {dimension_numbers = #tpu.dot_dimension_numbers<[1], [0], [0], [1], [0, 0, 1, 1], [], []>, transpose_lhs_hint = false} : vector<1024x128xf32>, vector<128x256xf32>, vector<1024x256xf32> -> vector<1024x256xf32>
    %get3A_11 = arith.constant 0 : index
    %get3A_12 = arith.constant 0 : index
    %get3A_13 = vector.load %arg9[%get3A_11, %get3A_12] : memref<1024x256xf32, #tpu.memory_space<vmem>>, vector<1024x256xf32>
    %add3A = arith.addf %dot_general3A_10, %get3A_13 : vector<1024x256xf32>
    %max3A = arith.constant 0.000000e+00 : f32
    %max3A_14 = vector.broadcast %max3A : f32 to vector<1024x256xf32>
    %max3A_15 = arith.maximumf %add3A, %max3A_14 : vector<1024x256xf32>
    %convert_element_type3A_16 = arith.truncf %max3A_15 : vector<1024x256xf32> to vector<1024x256xbf16>
    %swap3A = arith.constant 0 : index
    %swap3A_17 = arith.constant 0 : index
    %swap3A_18 = arith.constant 0 : index
    %swap3A_19 = arith.constant 0 : index
    %swap3A_20 = vector.load %arg7[%swap3A, %swap3A_17, %swap3A_18, %swap3A_19] : memref<1x1x1024x256xbf16, #tpu.memory_space<vmem>>, vector<1x1x1024x256xbf16>
    %swap3A_21 = vector.shape_cast %swap3A_20 : vector<1x1x1024x256xbf16> to vector<1024x256xbf16>
    %swap3A_22 = vector.shape_cast %convert_element_type3A_16 : vector<1024x256xbf16> to vector<1x1x1024x256xbf16>
    tpu.vector_store %arg7[%swap3A, %swap3A_17, %swap3A_18, %swap3A_19], %swap3A_22 {strides = array<i32>} : memref<1x1x1024x256xbf16, #tpu.memory_space<vmem>>, vector<1x1x1024x256xbf16>,
    %eq3A_23 = arith.constant 0 : i32
    %eq3A_24 = arith.cmpi eq, %arg0, %eq3A_23 : i32
    %eq3A_25 = arith.constant 0 : i32
    %eq3A_26 = arith.cmpi eq, %arg1, %eq3A_25 : i32
    %and3A = arith.andi %eq3A_24, %eq3A_26 : i1
    %convert_element_type3A_27 = arith.extui %and3A : i1 to i32
    %cond3A_28 = arith.constant 0 : i32
    %cond3A_29 = arith.cmpi ne, %convert_element_type3A_27, %cond3A_28 : i32
    scf.if %cond3A_29 {
      %broadcast_in_dim3A_48 = arith.constant 0.000000e+00 : f32
      %broadcast_in_dim3A_49 = vector.broadcast %broadcast_in_dim3A_48 : f32 to vector<8x256xf32>
      %swap3A_50 = arith.constant 0 : index
      %swap3A_51 = arith.constant 0 : index
      %swap3A_52 = vector.load %arg8[%swap3A_50, %swap3A_51] : memref<8x256xf32, #tpu.memory_space<vmem>>, vector<8x256xf32>
      tpu.vector_store %arg8[%swap3A_50, %swap3A_51], %broadcast_in_dim3A_49 {strides = array<i32>} : memref<8x256xf32, #tpu.memory_space<vmem>>, vector<8x256xf32>,
    } else {
    }
    %get3A_30 = arith.constant 0 : index
    %get3A_31 = arith.constant 0 : index
    %get3A_32 = vector.load %arg8[%get3A_30, %get3A_31] : memref<8x256xf32, #tpu.memory_space<vmem>>, vector<1x256xf32>
    %reduce_sum3A = arith.constant dense<0.000000e+00> : vector<256xf32>
    %reduce_sum3A_33 = vector.multi_reduction <add>, %max3A_15, %reduce_sum3A [0] : vector<1024x256xf32> to vector<256xf32>
    %broadcast_in_dim3A = vector.shape_cast %reduce_sum3A_33 : vector<256xf32> to vector<1x256xf32>
    %add3A_34 = arith.addf %get3A_32, %broadcast_in_dim3A : vector<1x256xf32>
    %swap3A_35 = arith.constant 0 : index
    %swap3A_36 = arith.constant 0 : index
    %swap3A_37 = vector.load %arg8[%swap3A_35, %swap3A_36] : memref<8x256xf32, #tpu.memory_space<vmem>>, vector<1x256xf32>
    tpu.vector_store %arg8[%swap3A_35, %swap3A_36], %add3A_34 {strides = array<i32>} : memref<8x256xf32, #tpu.memory_space<vmem>>, vector<1x256xf32>,
    %get3A_38 = arith.constant 1 : index
    %get3A_39 = arith.constant 0 : index
    %get3A_40 = vector.load %arg8[%get3A_38, %get3A_39] : memref<8x256xf32, #tpu.memory_space<vmem>>, vector<1x256xf32>
    %mul3A = arith.mulf %max3A_15, %max3A_15 : vector<1024x256xf32>
    %reduce_sum3A_41 = arith.constant dense<0.000000e+00> : vector<256xf32>
    %reduce_sum3A_42 = vector.multi_reduction <add>, %mul3A, %reduce_sum3A_41 [0] : vector<1024x256xf32> to vector<256xf32>
    %broadcast_in_dim3A_43 = vector.shape_cast %reduce_sum3A_42 : vector<256xf32> to vector<1x256xf32>
    %add3A_44 = arith.addf %get3A_40, %broadcast_in_dim3A_43 : vector<1x256xf32>
    %swap3A_45 = arith.constant 1 : index
    %swap3A_46 = arith.constant 0 : index
    %swap3A_47 = vector.load %arg8[%swap3A_45, %swap3A_46] : memref<8x256xf32, #tpu.memory_space<vmem>>, vector<1x256xf32>
    tpu.vector_store %arg8[%swap3A_45, %swap3A_46], %add3A_44 {strides = array<i32>} : memref<8x256xf32, #tpu.memory_space<vmem>>, vector<1x256xf32>,
    return
  }
  func.func @transform_0(%arg0: i32, %arg1: i32) -> (i32, i32, i32, i32) {
    %c0_i32 = arith.constant 0 : i32
    %c0_i32_0 = arith.constant 0 : i32
    %c0_i32_1 = arith.constant 0 : i32
    return %arg0, %arg1, %c0_i32, %c0_i32_0 : i32, i32, i32, i32
  }
  func.func @transform_1(%arg0: i32, %arg1: i32) -> (i32, i32, i32) {
    %c0_i32 = arith.constant 0 : i32
    %c0_i32_0 = arith.constant 0 : i32
    %c0_i32_1 = arith.constant 0 : i32
    return %arg0, %c0_i32, %c0_i32_0 : i32, i32, i32
  }
  func.func @transform_2(%arg0: i32, %arg1: i32) -> (i32, i32) {
    %c0_i32 = arith.constant 0 : i32
    %c0_i32_0 = arith.constant 0 : i32
    %c0_i32_1 = arith.constant 0 : i32
    return %c0_i32, %c0_i32_0 : i32, i32
  }
  func.func @transform_3(%arg0: i32, %arg1: i32) -> (i32, i32) {
    %c0_i32 = arith.constant 0 : i32
    %c0_i32_0 = arith.constant 0 : i32
    %c0_i32_1 = arith.constant 0 : i32
    return %c0_i32, %c0_i32_0 : i32, i32
  }
  func.func @transform_4(%arg0: i32, %arg1: i32) -> (i32, i32) {
    %c0_i32 = arith.constant 0 : i32
    %c0_i32_0 = arith.constant 0 : i32
    %c0_i32_1 = arith.constant 0 : i32
    return %c0_i32, %c0_i32_0 : i32, i32
  }
  func.func @transform_5(%arg0: i32, %arg1: i32) -> (i32, i32, i32, i32) {
    %c0_i32 = arith.constant 0 : i32
    %c0_i32_0 = arith.constant 0 : i32
    %c0_i32_1 = arith.constant 0 : i32
    return %arg0, %arg1, %c0_i32, %c0_i32_0 : i32, i32, i32, i32
  }
  func.func @transform_6(%arg0: i32, %arg1: i32) -> (i32, i32) {
    %c0_i32 = arith.constant 0 : i32
    %c0_i32_0 = arith.constant 0 : i32
    %c0_i32_1 = arith.constant 0 : i32
    return %c0_i32, %c0_i32_0 : i32, i32
  }
}

module attributes {stable_mosaic.version = 14 : i64} {
  func.func @_mid_kernel(%arg0: i32, %arg1: i32, %arg2: memref<1x1x1024x256xbf16, #tpu.memory_space<vmem>>, %arg3: memref<8x256xf32, #tpu.memory_space<vmem>>, %arg4: memref<256x256xf32, #tpu.memory_space<vmem>>, %arg5: memref<1x256xf32, #tpu.memory_space<vmem>>, %arg6: memref<1x256xf32, #tpu.memory_space<vmem>>, %arg7: memref<1x256xf32, #tpu.memory_space<vmem>>, %arg8: memref<1x1x1024x256xbf16, #tpu.memory_space<vmem>>, %arg9: memref<8x256xf32, #tpu.memory_space<vmem>>) attributes {dimension_semantics = [#tpu.dimension_semantics<arbitrary>, #tpu.dimension_semantics<arbitrary>], iteration_bounds = array<i64: 16, 16>, scalar_prefetch = 0 : i64, scratch_operands = 0 : i64, tpu.core_type = #tpu.core_type<tc>, window_params = [{transform_indices = @transform_0, window_bounds = array<i64: 1, 1, 1024, 256>}, {pipeline_mode = #tpu.pipeline_mode<synchronous>, transform_indices = @transform_1, window_bounds = array<i64: 8, 256>}, {pipeline_mode = #tpu.pipeline_mode<synchronous>, transform_indices = @transform_2, window_bounds = array<i64: 256, 256>}, {pipeline_mode = #tpu.pipeline_mode<synchronous>, transform_indices = @transform_3, window_bounds = array<i64: 1, 256>}, {pipeline_mode = #tpu.pipeline_mode<synchronous>, transform_indices = @transform_4, window_bounds = array<i64: 1, 256>}, {pipeline_mode = #tpu.pipeline_mode<synchronous>, transform_indices = @transform_5, window_bounds = array<i64: 1, 256>}, {transform_indices = @transform_6, window_bounds = array<i64: 1, 1, 1024, 256>}, {pipeline_mode = #tpu.pipeline_mode<synchronous>, transform_indices = @transform_7, window_bounds = array<i64: 8, 256>}]} {
    %get3A = arith.constant 0 : index
    %get3A_0 = arith.constant 0 : index
    %get3A_1 = vector.load %arg3[%get3A, %get3A_0] : memref<8x256xf32, #tpu.memory_space<vmem>>, vector<1x256xf32>
    %get3A_2 = arith.constant 1 : index
    %get3A_3 = arith.constant 0 : index
    %get3A_4 = vector.load %arg3[%get3A_2, %get3A_3] : memref<8x256xf32, #tpu.memory_space<vmem>>, vector<1x256xf32>
    %mul3A = arith.constant 3.81469727E-6 : f32
    %mul3A_5 = vector.broadcast %mul3A : f32 to vector<1x256xf32>
    %mul3A_6 = arith.mulf %get3A_1, %mul3A_5 : vector<1x256xf32>
    %mul3A_7 = arith.constant 3.81469727E-6 : f32
    %mul3A_8 = vector.broadcast %mul3A_7 : f32 to vector<1x256xf32>
    %mul3A_9 = arith.mulf %get3A_4, %mul3A_8 : vector<1x256xf32>
    %mul3A_10 = arith.mulf %mul3A_6, %mul3A_6 : vector<1x256xf32>
    %sub3A = arith.subf %mul3A_9, %mul3A_10 : vector<1x256xf32>
    %get3A_11 = arith.constant 0 : index
    %get3A_12 = arith.constant 0 : index
    %get3A_13 = vector.load %arg6[%get3A_11, %get3A_12] : memref<1x256xf32, #tpu.memory_space<vmem>>, vector<1x256xf32>
    %add3A = arith.constant 1.000000e-03 : f32
    %add3A_14 = vector.broadcast %add3A : f32 to vector<1x256xf32>
    %add3A_15 = arith.addf %sub3A, %add3A_14 : vector<1x256xf32>
    %rsqrt3A = math.rsqrt %add3A_15 : vector<1x256xf32>
    %mul3A_16 = arith.mulf %get3A_13, %rsqrt3A : vector<1x256xf32>
    %get3A_17 = arith.constant 0 : index
    %get3A_18 = arith.constant 0 : index
    %get3A_19 = vector.load %arg7[%get3A_17, %get3A_18] : memref<1x256xf32, #tpu.memory_space<vmem>>, vector<1x256xf32>
    %mul3A_20 = arith.mulf %mul3A_6, %mul3A_16 : vector<1x256xf32>
    %sub3A_21 = arith.subf %get3A_19, %mul3A_20 : vector<1x256xf32>
    %get3A_22 = arith.constant 0 : index
    %get3A_23 = arith.constant 0 : index
    %get3A_24 = arith.constant 0 : index
    %get3A_25 = arith.constant 0 : index
    %get3A_26 = vector.load %arg2[%get3A_22, %get3A_23, %get3A_24, %get3A_25] : memref<1x1x1024x256xbf16, #tpu.memory_space<vmem>>, vector<1x1x1024x256xbf16>
    %get3A_27 = vector.shape_cast %get3A_26 : vector<1x1x1024x256xbf16> to vector<1024x256xbf16>
    %convert_element_type3A = arith.extf %get3A_27 : vector<1024x256xbf16> to vector<1024x256xf32>
    %mul3A_28 = vector.broadcast %mul3A_16 : vector<1x256xf32> to vector<1024x256xf32>
    %mul3A_29 = arith.mulf %convert_element_type3A, %mul3A_28 : vector<1024x256xf32>
    %add3A_30 = vector.broadcast %sub3A_21 : vector<1x256xf32> to vector<1024x256xf32>
    %add3A_31 = arith.addf %mul3A_29, %add3A_30 : vector<1024x256xf32>
    %get3A_32 = arith.constant 0 : index
    %get3A_33 = arith.constant 0 : index
    %get3A_34 = vector.load %arg4[%get3A_32, %get3A_33] : memref<256x256xf32, #tpu.memory_space<vmem>>, vector<256x256xf32>
    %dot_general3A = arith.constant dense<0.000000e+00> : vector<1024x256xf32>
    %dot_general3A_35 = tpu.matmul %add3A_31, %get3A_34, %dot_general3A {dimension_numbers = #tpu.dot_dimension_numbers<[1], [0], [0], [1], [0, 0, 1, 1], [], []>, transpose_lhs_hint = false} : vector<1024x256xf32>, vector<256x256xf32>, vector<1024x256xf32> -> vector<1024x256xf32>
    %get3A_36 = arith.constant 0 : index
    %get3A_37 = arith.constant 0 : index
    %get3A_38 = vector.load %arg5[%get3A_36, %get3A_37] : memref<1x256xf32, #tpu.memory_space<vmem>>, vector<1x256xf32>
    %add3A_39 = vector.broadcast %get3A_38 : vector<1x256xf32> to vector<1024x256xf32>
    %add3A_40 = arith.addf %dot_general3A_35, %add3A_39 : vector<1024x256xf32>
    %max3A = arith.constant 0.000000e+00 : f32
    %max3A_41 = vector.broadcast %max3A : f32 to vector<1024x256xf32>
    %max3A_42 = arith.maximumf %add3A_40, %max3A_41 : vector<1024x256xf32>
    %convert_element_type3A_43 = arith.truncf %max3A_42 : vector<1024x256xf32> to vector<1024x256xbf16>
    %swap3A = arith.constant 0 : index
    %swap3A_44 = arith.constant 0 : index
    %swap3A_45 = arith.constant 0 : index
    %swap3A_46 = arith.constant 0 : index
    %swap3A_47 = vector.load %arg8[%swap3A, %swap3A_44, %swap3A_45, %swap3A_46] : memref<1x1x1024x256xbf16, #tpu.memory_space<vmem>>, vector<1x1x1024x256xbf16>
    %swap3A_48 = vector.shape_cast %swap3A_47 : vector<1x1x1024x256xbf16> to vector<1024x256xbf16>
    %swap3A_49 = vector.shape_cast %convert_element_type3A_43 : vector<1024x256xbf16> to vector<1x1x1024x256xbf16>
    tpu.vector_store %arg8[%swap3A, %swap3A_44, %swap3A_45, %swap3A_46], %swap3A_49 {strides = array<i32>} : memref<1x1x1024x256xbf16, #tpu.memory_space<vmem>>, vector<1x1x1024x256xbf16>,
    %eq3A = arith.constant 0 : i32
    %eq3A_50 = arith.cmpi eq, %arg0, %eq3A : i32
    %eq3A_51 = arith.constant 0 : i32
    %eq3A_52 = arith.cmpi eq, %arg1, %eq3A_51 : i32
    %and3A = arith.andi %eq3A_50, %eq3A_52 : i1
    %convert_element_type3A_53 = arith.extui %and3A : i1 to i32
    %cond3A = arith.constant 0 : i32
    %cond3A_54 = arith.cmpi ne, %convert_element_type3A_53, %cond3A : i32
    scf.if %cond3A_54 {
      %broadcast_in_dim3A_74 = arith.constant 0.000000e+00 : f32
      %broadcast_in_dim3A_75 = vector.broadcast %broadcast_in_dim3A_74 : f32 to vector<8x256xf32>
      %swap3A_76 = arith.constant 0 : index
      %swap3A_77 = arith.constant 0 : index
      %swap3A_78 = vector.load %arg9[%swap3A_76, %swap3A_77] : memref<8x256xf32, #tpu.memory_space<vmem>>, vector<8x256xf32>
      tpu.vector_store %arg9[%swap3A_76, %swap3A_77], %broadcast_in_dim3A_75 {strides = array<i32>} : memref<8x256xf32, #tpu.memory_space<vmem>>, vector<8x256xf32>,
    } else {
    }
    %get3A_55 = arith.constant 0 : index
    %get3A_56 = arith.constant 0 : index
    %get3A_57 = vector.load %arg9[%get3A_55, %get3A_56] : memref<8x256xf32, #tpu.memory_space<vmem>>, vector<1x256xf32>
    %reduce_sum3A = arith.constant dense<0.000000e+00> : vector<256xf32>
    %reduce_sum3A_58 = vector.multi_reduction <add>, %max3A_42, %reduce_sum3A [0] : vector<1024x256xf32> to vector<256xf32>
    %broadcast_in_dim3A = vector.shape_cast %reduce_sum3A_58 : vector<256xf32> to vector<1x256xf32>
    %add3A_59 = arith.addf %get3A_57, %broadcast_in_dim3A : vector<1x256xf32>
    %swap3A_60 = arith.constant 0 : index
    %swap3A_61 = arith.constant 0 : index
    %swap3A_62 = vector.load %arg9[%swap3A_60, %swap3A_61] : memref<8x256xf32, #tpu.memory_space<vmem>>, vector<1x256xf32>
    tpu.vector_store %arg9[%swap3A_60, %swap3A_61], %add3A_59 {strides = array<i32>} : memref<8x256xf32, #tpu.memory_space<vmem>>, vector<1x256xf32>,
    %get3A_63 = arith.constant 1 : index
    %get3A_64 = arith.constant 0 : index
    %get3A_65 = vector.load %arg9[%get3A_63, %get3A_64] : memref<8x256xf32, #tpu.memory_space<vmem>>, vector<1x256xf32>
    %mul3A_66 = arith.mulf %max3A_42, %max3A_42 : vector<1024x256xf32>
    %reduce_sum3A_67 = arith.constant dense<0.000000e+00> : vector<256xf32>
    %reduce_sum3A_68 = vector.multi_reduction <add>, %mul3A_66, %reduce_sum3A_67 [0] : vector<1024x256xf32> to vector<256xf32>
    %broadcast_in_dim3A_69 = vector.shape_cast %reduce_sum3A_68 : vector<256xf32> to vector<1x256xf32>
    %add3A_70 = arith.addf %get3A_65, %broadcast_in_dim3A_69 : vector<1x256xf32>
    %swap3A_71 = arith.constant 1 : index
    %swap3A_72 = arith.constant 0 : index
    %swap3A_73 = vector.load %arg9[%swap3A_71, %swap3A_72] : memref<8x256xf32, #tpu.memory_space<vmem>>, vector<1x256xf32>
    tpu.vector_store %arg9[%swap3A_71, %swap3A_72], %add3A_70 {strides = array<i32>} : memref<8x256xf32, #tpu.memory_space<vmem>>, vector<1x256xf32>,
    return
  }
  func.func @transform_0(%arg0: i32, %arg1: i32) -> (i32, i32, i32, i32) {
    %c0_i32 = arith.constant 0 : i32
    %c0_i32_0 = arith.constant 0 : i32
    %c0_i32_1 = arith.constant 0 : i32
    return %arg0, %arg1, %c0_i32, %c0_i32_0 : i32, i32, i32, i32
  }
  func.func @transform_1(%arg0: i32, %arg1: i32) -> (i32, i32) {
    %c0_i32 = arith.constant 0 : i32
    %c0_i32_0 = arith.constant 0 : i32
    %c0_i32_1 = arith.constant 0 : i32
    return %c0_i32, %c0_i32_0 : i32, i32
  }
  func.func @transform_2(%arg0: i32, %arg1: i32) -> (i32, i32) {
    %c0_i32 = arith.constant 0 : i32
    %c0_i32_0 = arith.constant 0 : i32
    %c0_i32_1 = arith.constant 0 : i32
    return %c0_i32, %c0_i32_0 : i32, i32
  }
  func.func @transform_3(%arg0: i32, %arg1: i32) -> (i32, i32) {
    %c0_i32 = arith.constant 0 : i32
    %c0_i32_0 = arith.constant 0 : i32
    %c0_i32_1 = arith.constant 0 : i32
    return %c0_i32, %c0_i32_0 : i32, i32
  }
  func.func @transform_4(%arg0: i32, %arg1: i32) -> (i32, i32) {
    %c0_i32 = arith.constant 0 : i32
    %c0_i32_0 = arith.constant 0 : i32
    %c0_i32_1 = arith.constant 0 : i32
    return %c0_i32, %c0_i32_0 : i32, i32
  }
  func.func @transform_5(%arg0: i32, %arg1: i32) -> (i32, i32) {
    %c0_i32 = arith.constant 0 : i32
    %c0_i32_0 = arith.constant 0 : i32
    %c0_i32_1 = arith.constant 0 : i32
    return %c0_i32, %c0_i32_0 : i32, i32
  }
  func.func @transform_6(%arg0: i32, %arg1: i32) -> (i32, i32, i32, i32) {
    %c0_i32 = arith.constant 0 : i32
    %c0_i32_0 = arith.constant 0 : i32
    %c0_i32_1 = arith.constant 0 : i32
    return %arg0, %arg1, %c0_i32, %c0_i32_0 : i32, i32, i32, i32
  }
  func.func @transform_7(%arg0: i32, %arg1: i32) -> (i32, i32) {
    %c0_i32 = arith.constant 0 : i32
    %c0_i32_0 = arith.constant 0 : i32
    %c0_i32_1 = arith.constant 0 : i32
    return %c0_i32, %c0_i32_0 : i32, i32
  }
}

module attributes {stable_mosaic.version = 14 : i64} {
  func.func @_l2_kernel(%arg0: i32, %arg1: i32, %arg2: memref<1x1x1024x256xbf16, #tpu.memory_space<vmem>>, %arg3: memref<8x256xf32, #tpu.memory_space<vmem>>, %arg4: memref<256x256xf32, #tpu.memory_space<vmem>>, %arg5: memref<1x256xf32, #tpu.memory_space<vmem>>, %arg6: memref<1x256xf32, #tpu.memory_space<vmem>>, %arg7: memref<1x256xf32, #tpu.memory_space<vmem>>, %arg8: memref<1x64x1024xf32, #tpu.memory_space<vmem>>, %arg9: memref<256x64xf32, #tpu.memory_space<vmem>>, %arg10: memref<1x1024x256xf32, #tpu.memory_space<vmem>>, %arg11: memref<8x256xf32, #tpu.memory_space<vmem>>, %arg12: memref<1x256x1024xf32, #tpu.memory_space<vmem>>, %arg13: memref<256x8xf32, #tpu.memory_space<vmem>>) attributes {dimension_semantics = [#tpu.dimension_semantics<arbitrary>, #tpu.dimension_semantics<arbitrary>], iteration_bounds = array<i64: 16, 16>, scalar_prefetch = 0 : i64, scratch_operands = 0 : i64, tpu.core_type = #tpu.core_type<tc>, window_params = [{transform_indices = @transform_0, window_bounds = array<i64: 1, 1, 1024, 256>}, {pipeline_mode = #tpu.pipeline_mode<synchronous>, transform_indices = @transform_1, window_bounds = array<i64: 8, 256>}, {pipeline_mode = #tpu.pipeline_mode<synchronous>, transform_indices = @transform_2, window_bounds = array<i64: 256, 256>}, {pipeline_mode = #tpu.pipeline_mode<synchronous>, transform_indices = @transform_3, window_bounds = array<i64: 1, 256>}, {pipeline_mode = #tpu.pipeline_mode<synchronous>, transform_indices = @transform_4, window_bounds = array<i64: 1, 256>}, {pipeline_mode = #tpu.pipeline_mode<synchronous>, transform_indices = @transform_5, window_bounds = array<i64: 1, 256>}, {transform_indices = @transform_6, window_bounds = array<i64: 1, 64, 1024>}, {pipeline_mode = #tpu.pipeline_mode<synchronous>, transform_indices = @transform_7, window_bounds = array<i64: 256, 64>}, {transform_indices = @transform_8, window_bounds = array<i64: 1, 1024, 256>}, {pipeline_mode = #tpu.pipeline_mode<synchronous>, transform_indices = @transform_9, window_bounds = array<i64: 8, 256>}, {transform_indices = @transform_10, window_bounds = array<i64: 1, 256, 1024>}, {pipeline_mode = #tpu.pipeline_mode<synchronous>, transform_indices = @transform_11, window_bounds = array<i64: 256, 8>}]} {
    %get3A = arith.constant 0 : index
    %get3A_0 = arith.constant 0 : index
    %get3A_1 = vector.load %arg3[%get3A, %get3A_0] : memref<8x256xf32, #tpu.memory_space<vmem>>, vector<1x256xf32>
    %get3A_2 = arith.constant 1 : index
    %get3A_3 = arith.constant 0 : index
    %get3A_4 = vector.load %arg3[%get3A_2, %get3A_3] : memref<8x256xf32, #tpu.memory_space<vmem>>, vector<1x256xf32>
    %mul3A = arith.constant 3.81469727E-6 : f32
    %mul3A_5 = vector.broadcast %mul3A : f32 to vector<1x256xf32>
    %mul3A_6 = arith.mulf %get3A_1, %mul3A_5 : vector<1x256xf32>
    %mul3A_7 = arith.constant 3.81469727E-6 : f32
    %mul3A_8 = vector.broadcast %mul3A_7 : f32 to vector<1x256xf32>
    %mul3A_9 = arith.mulf %get3A_4, %mul3A_8 : vector<1x256xf32>
    %mul3A_10 = arith.mulf %mul3A_6, %mul3A_6 : vector<1x256xf32>
    %sub3A = arith.subf %mul3A_9, %mul3A_10 : vector<1x256xf32>
    %get3A_11 = arith.constant 0 : index
    %get3A_12 = arith.constant 0 : index
    %get3A_13 = vector.load %arg6[%get3A_11, %get3A_12] : memref<1x256xf32, #tpu.memory_space<vmem>>, vector<1x256xf32>
    %add3A = arith.constant 1.000000e-03 : f32
    %add3A_14 = vector.broadcast %add3A : f32 to vector<1x256xf32>
    %add3A_15 = arith.addf %sub3A, %add3A_14 : vector<1x256xf32>
    %rsqrt3A = math.rsqrt %add3A_15 : vector<1x256xf32>
    %mul3A_16 = arith.mulf %get3A_13, %rsqrt3A : vector<1x256xf32>
    %get3A_17 = arith.constant 0 : index
    %get3A_18 = arith.constant 0 : index
    %get3A_19 = vector.load %arg7[%get3A_17, %get3A_18] : memref<1x256xf32, #tpu.memory_space<vmem>>, vector<1x256xf32>
    %mul3A_20 = arith.mulf %mul3A_6, %mul3A_16 : vector<1x256xf32>
    %sub3A_21 = arith.subf %get3A_19, %mul3A_20 : vector<1x256xf32>
    %get3A_22 = arith.constant 0 : index
    %get3A_23 = arith.constant 0 : index
    %get3A_24 = arith.constant 0 : index
    %get3A_25 = arith.constant 0 : index
    %get3A_26 = vector.load %arg2[%get3A_22, %get3A_23, %get3A_24, %get3A_25] : memref<1x1x1024x256xbf16, #tpu.memory_space<vmem>>, vector<1x1x1024x256xbf16>
    %get3A_27 = vector.shape_cast %get3A_26 : vector<1x1x1024x256xbf16> to vector<1024x256xbf16>
    %convert_element_type3A = arith.extf %get3A_27 : vector<1024x256xbf16> to vector<1024x256xf32>
    %mul3A_28 = vector.broadcast %mul3A_16 : vector<1x256xf32> to vector<1024x256xf32>
    %mul3A_29 = arith.mulf %convert_element_type3A, %mul3A_28 : vector<1024x256xf32>
    %add3A_30 = vector.broadcast %sub3A_21 : vector<1x256xf32> to vector<1024x256xf32>
    %add3A_31 = arith.addf %mul3A_29, %add3A_30 : vector<1024x256xf32>
    %get3A_32 = arith.constant 0 : index
    %get3A_33 = arith.constant 0 : index
    %get3A_34 = vector.load %arg4[%get3A_32, %get3A_33] : memref<256x256xf32, #tpu.memory_space<vmem>>, vector<256x256xf32>
    %dot_general3A = arith.constant dense<0.000000e+00> : vector<1024x256xf32>
    %dot_general3A_35 = tpu.matmul %add3A_31, %get3A_34, %dot_general3A {dimension_numbers = #tpu.dot_dimension_numbers<[1], [0], [0], [1], [0, 0, 1, 1], [], []>, transpose_lhs_hint = false} : vector<1024x256xf32>, vector<256x256xf32>, vector<1024x256xf32> -> vector<1024x256xf32>
    %get3A_36 = arith.constant 0 : index
    %get3A_37 = arith.constant 0 : index
    %get3A_38 = vector.load %arg5[%get3A_36, %get3A_37] : memref<1x256xf32, #tpu.memory_space<vmem>>, vector<1x256xf32>
    %add3A_39 = vector.broadcast %get3A_38 : vector<1x256xf32> to vector<1024x256xf32>
    %add3A_40 = arith.addf %dot_general3A_35, %add3A_39 : vector<1024x256xf32>
    %max3A = arith.constant 0.000000e+00 : f32
    %max3A_41 = vector.broadcast %max3A : f32 to vector<1024x256xf32>
    %max3A_42 = arith.maximumf %add3A_40, %max3A_41 : vector<1024x256xf32>
    %eq3A = arith.constant 0 : i32
    %eq3A_43 = arith.cmpi eq, %arg1, %eq3A : i32
    %convert_element_type3A_44 = arith.extui %eq3A_43 : i1 to i32
    %cond3A = arith.constant 0 : i32
    %cond3A_45 = arith.cmpi ne, %convert_element_type3A_44, %cond3A : i32
    scf.if %cond3A_45 {
      %swap3A_75 = arith.constant 0 : index
      %swap3A_76 = arith.constant 0 : index
      %swap3A_77 = arith.constant 0 : index
      %swap3A_78 = vector.load %arg10[%swap3A_75, %swap3A_76, %swap3A_77] : memref<1x1024x256xf32, #tpu.memory_space<vmem>>, vector<1x1024x256xf32>
      %swap3A_79 = vector.shape_cast %swap3A_78 : vector<1x1024x256xf32> to vector<1024x256xf32>
      %swap3A_80 = vector.shape_cast %max3A_42 : vector<1024x256xf32> to vector<1x1024x256xf32>
      tpu.vector_store %arg10[%swap3A_75, %swap3A_76, %swap3A_77], %swap3A_80 {strides = array<i32>} : memref<1x1024x256xf32, #tpu.memory_space<vmem>>, vector<1x1024x256xf32>,
      %get3A_81 = arith.constant 0 : index
      %get3A_82 = arith.constant 0 : index
      %get3A_83 = vector.load %arg9[%get3A_81, %get3A_82] : memref<256x64xf32, #tpu.memory_space<vmem>>, vector<256x64xf32>
      %get3A_84 = arith.constant 0 : index
      %get3A_85 = arith.constant 0 : index
      %get3A_86 = arith.constant 0 : index
      %get3A_87 = vector.load %arg8[%get3A_84, %get3A_85, %get3A_86] : memref<1x64x1024xf32, #tpu.memory_space<vmem>>, vector<1x64x1024xf32>
      %get3A_88 = vector.shape_cast %get3A_87 : vector<1x64x1024xf32> to vector<64x1024xf32>
      %dot_general3A_89 = arith.constant dense<0.000000e+00> : vector<256x1024xf32>
      %dot_general3A_90 = tpu.matmul %get3A_83, %get3A_88, %dot_general3A_89 {dimension_numbers = #tpu.dot_dimension_numbers<[1], [0], [0], [1], [0, 0, 1, 1], [], []>, transpose_lhs_hint = false} : vector<256x64xf32>, vector<64x1024xf32>, vector<256x1024xf32> -> vector<256x1024xf32>
      %swap3A_91 = arith.constant 0 : index
      %swap3A_92 = arith.constant 0 : index
      %swap3A_93 = arith.constant 0 : index
      %swap3A_94 = vector.load %arg12[%swap3A_91, %swap3A_92, %swap3A_93] : memref<1x256x1024xf32, #tpu.memory_space<vmem>>, vector<1x256x1024xf32>
      %swap3A_95 = vector.shape_cast %swap3A_94 : vector<1x256x1024xf32> to vector<256x1024xf32>
      %swap3A_96 = vector.shape_cast %dot_general3A_90 : vector<256x1024xf32> to vector<1x256x1024xf32>
      tpu.vector_store %arg12[%swap3A_91, %swap3A_92, %swap3A_93], %swap3A_96 {strides = array<i32>} : memref<1x256x1024xf32, #tpu.memory_space<vmem>>, vector<1x256x1024xf32>,
      %eq3A_97 = arith.constant 0 : i32
      %eq3A_98 = arith.cmpi eq, %arg0, %eq3A_97 : i32
      %convert_element_type3A_99 = arith.extui %eq3A_98 : i1 to i32
      %cond3A_100 = arith.constant 0 : i32
      %cond3A_101 = arith.cmpi ne, %convert_element_type3A_99, %cond3A_100 : i32
      scf.if %cond3A_101 {
        %broadcast_in_dim3A_123 = arith.constant 0.000000e+00 : f32
        %broadcast_in_dim3A_124 = vector.broadcast %broadcast_in_dim3A_123 : f32 to vector<256x8xf32>
        %swap3A_125 = arith.constant 0 : index
        %swap3A_126 = arith.constant 0 : index
        %swap3A_127 = vector.load %arg13[%swap3A_125, %swap3A_126] : memref<256x8xf32, #tpu.memory_space<vmem>>, vector<256x8xf32>
        tpu.vector_store %arg13[%swap3A_125, %swap3A_126], %broadcast_in_dim3A_124 {strides = array<i32>} : memref<256x8xf32, #tpu.memory_space<vmem>>, vector<256x8xf32>,
      } else {
      }
      %get3A_102 = arith.constant 0 : index
      %get3A_103 = arith.constant 0 : index
      %get3A_104 = vector.load %arg13[%get3A_102, %get3A_103] : memref<256x8xf32, #tpu.memory_space<vmem>>, vector<256x1xf32>
      %reduce_sum3A_105 = arith.constant dense<0.000000e+00> : vector<256xf32>
      %reduce_sum3A_106 = vector.multi_reduction <add>, %dot_general3A_90, %reduce_sum3A_105 [1] : vector<256x1024xf32> to vector<256xf32>
      %broadcast_in_dim3A_107 = vector.shape_cast %reduce_sum3A_106 : vector<256xf32> to vector<256x1xf32>
      %add3A_108 = arith.addf %get3A_104, %broadcast_in_dim3A_107 : vector<256x1xf32>
      %swap3A_109 = arith.constant 0 : index
      %swap3A_110 = arith.constant 0 : index
      %swap3A_111 = vector.load %arg13[%swap3A_109, %swap3A_110] : memref<256x8xf32, #tpu.memory_space<vmem>>, vector<256x1xf32>
      tpu.vector_store %arg13[%swap3A_109, %swap3A_110], %add3A_108 {strides = array<i32>} : memref<256x8xf32, #tpu.memory_space<vmem>>, vector<256x1xf32>,
      %get3A_112 = arith.constant 0 : index
      %get3A_113 = arith.constant 1 : index
      %get3A_114 = vector.load %arg13[%get3A_112, %get3A_113] : memref<256x8xf32, #tpu.memory_space<vmem>>, vector<256x1xf32>
      %mul3A_115 = arith.mulf %dot_general3A_90, %dot_general3A_90 : vector<256x1024xf32>
      %reduce_sum3A_116 = arith.constant dense<0.000000e+00> : vector<256xf32>
      %reduce_sum3A_117 = vector.multi_reduction <add>, %mul3A_115, %reduce_sum3A_116 [1] : vector<256x1024xf32> to vector<256xf32>
      %broadcast_in_dim3A_118 = vector.shape_cast %reduce_sum3A_117 : vector<256xf32> to vector<256x1xf32>
      %add3A_119 = arith.addf %get3A_114, %broadcast_in_dim3A_118 : vector<256x1xf32>
      %swap3A_120 = arith.constant 0 : index
      %swap3A_121 = arith.constant 1 : index
      %swap3A_122 = vector.load %arg13[%swap3A_120, %swap3A_121] : memref<256x8xf32, #tpu.memory_space<vmem>>, vector<256x1xf32>
      tpu.vector_store %arg13[%swap3A_120, %swap3A_121], %add3A_119 {strides = array<i32>} : memref<256x8xf32, #tpu.memory_space<vmem>>, vector<256x1xf32>,
    } else {
    }
    %gt3A = arith.constant 0 : i32
    %gt3A_46 = arith.cmpi sgt, %arg1, %gt3A : i32
    %convert_element_type3A_47 = arith.extui %gt3A_46 : i1 to i32
    %cond3A_48 = arith.constant 0 : i32
    %cond3A_49 = arith.cmpi ne, %convert_element_type3A_47, %cond3A_48 : i32
    scf.if %cond3A_49 {
      %get3A_75 = arith.constant 0 : index
      %get3A_76 = arith.constant 0 : index
      %get3A_77 = arith.constant 0 : index
      %get3A_78 = vector.load %arg10[%get3A_75, %get3A_76, %get3A_77] : memref<1x1024x256xf32, #tpu.memory_space<vmem>>, vector<1x1024x256xf32>
      %get3A_79 = vector.shape_cast %get3A_78 : vector<1x1024x256xf32> to vector<1024x256xf32>
      %add3A_80 = arith.addf %get3A_79, %max3A_42 : vector<1024x256xf32>
      %swap3A_81 = arith.constant 0 : index
      %swap3A_82 = arith.constant 0 : index
      %swap3A_83 = arith.constant 0 : index
      %swap3A_84 = vector.load %arg10[%swap3A_81, %swap3A_82, %swap3A_83] : memref<1x1024x256xf32, #tpu.memory_space<vmem>>, vector<1x1024x256xf32>
      %swap3A_85 = vector.shape_cast %swap3A_84 : vector<1x1024x256xf32> to vector<1024x256xf32>
      %swap3A_86 = vector.shape_cast %add3A_80 : vector<1024x256xf32> to vector<1x1024x256xf32>
      tpu.vector_store %arg10[%swap3A_81, %swap3A_82, %swap3A_83], %swap3A_86 {strides = array<i32>} : memref<1x1024x256xf32, #tpu.memory_space<vmem>>, vector<1x1024x256xf32>,
    } else {
    }
    %eq3A_50 = arith.constant 0 : i32
    %eq3A_51 = arith.cmpi eq, %arg0, %eq3A_50 : i32
    %eq3A_52 = arith.constant 0 : i32
    %eq3A_53 = arith.cmpi eq, %arg1, %eq3A_52 : i32
    %and3A = arith.andi %eq3A_51, %eq3A_53 : i1
    %convert_element_type3A_54 = arith.extui %and3A : i1 to i32
    %cond3A_55 = arith.constant 0 : i32
    %cond3A_56 = arith.cmpi ne, %convert_element_type3A_54, %cond3A_55 : i32
    scf.if %cond3A_56 {
      %broadcast_in_dim3A_75 = arith.constant 0.000000e+00 : f32
      %broadcast_in_dim3A_76 = vector.broadcast %broadcast_in_dim3A_75 : f32 to vector<8x256xf32>
      %swap3A_77 = arith.constant 0 : index
      %swap3A_78 = arith.constant 0 : index
      %swap3A_79 = vector.load %arg11[%swap3A_77, %swap3A_78] : memref<8x256xf32, #tpu.memory_space<vmem>>, vector<8x256xf32>
      tpu.vector_store %arg11[%swap3A_77, %swap3A_78], %broadcast_in_dim3A_76 {strides = array<i32>} : memref<8x256xf32, #tpu.memory_space<vmem>>, vector<8x256xf32>,
    } else {
    }
    %get3A_57 = arith.constant 0 : index
    %get3A_58 = arith.constant 0 : index
    %get3A_59 = vector.load %arg11[%get3A_57, %get3A_58] : memref<8x256xf32, #tpu.memory_space<vmem>>, vector<1x256xf32>
    %reduce_sum3A = arith.constant dense<0.000000e+00> : vector<256xf32>
    %reduce_sum3A_60 = vector.multi_reduction <add>, %max3A_42, %reduce_sum3A [0] : vector<1024x256xf32> to vector<256xf32>
    %broadcast_in_dim3A = vector.shape_cast %reduce_sum3A_60 : vector<256xf32> to vector<1x256xf32>
    %add3A_61 = arith.addf %get3A_59, %broadcast_in_dim3A : vector<1x256xf32>
    %swap3A = arith.constant 0 : index
    %swap3A_62 = arith.constant 0 : index
    %swap3A_63 = vector.load %arg11[%swap3A, %swap3A_62] : memref<8x256xf32, #tpu.memory_space<vmem>>, vector<1x256xf32>
    tpu.vector_store %arg11[%swap3A, %swap3A_62], %add3A_61 {strides = array<i32>} : memref<8x256xf32, #tpu.memory_space<vmem>>, vector<1x256xf32>,
    %get3A_64 = arith.constant 1 : index
    %get3A_65 = arith.constant 0 : index
    %get3A_66 = vector.load %arg11[%get3A_64, %get3A_65] : memref<8x256xf32, #tpu.memory_space<vmem>>, vector<1x256xf32>
    %mul3A_67 = arith.mulf %max3A_42, %max3A_42 : vector<1024x256xf32>
    %reduce_sum3A_68 = arith.constant dense<0.000000e+00> : vector<256xf32>
    %reduce_sum3A_69 = vector.multi_reduction <add>, %mul3A_67, %reduce_sum3A_68 [0] : vector<1024x256xf32> to vector<256xf32>
    %broadcast_in_dim3A_70 = vector.shape_cast %reduce_sum3A_69 : vector<256xf32> to vector<1x256xf32>
    %add3A_71 = arith.addf %get3A_66, %broadcast_in_dim3A_70 : vector<1x256xf32>
    %swap3A_72 = arith.constant 1 : index
    %swap3A_73 = arith.constant 0 : index
    %swap3A_74 = vector.load %arg11[%swap3A_72, %swap3A_73] : memref<8x256xf32, #tpu.memory_space<vmem>>, vector<1x256xf32>
    tpu.vector_store %arg11[%swap3A_72, %swap3A_73], %add3A_71 {strides = array<i32>} : memref<8x256xf32, #tpu.memory_space<vmem>>, vector<1x256xf32>,
    return
  }
  func.func @transform_0(%arg0: i32, %arg1: i32) -> (i32, i32, i32, i32) {
    %c0_i32 = arith.constant 0 : i32
    %c0_i32_0 = arith.constant 0 : i32
    %c0_i32_1 = arith.constant 0 : i32
    return %arg0, %arg1, %c0_i32, %c0_i32_0 : i32, i32, i32, i32
  }
  func.func @transform_1(%arg0: i32, %arg1: i32) -> (i32, i32) {
    %c0_i32 = arith.constant 0 : i32
    %c0_i32_0 = arith.constant 0 : i32
    %c0_i32_1 = arith.constant 0 : i32
    return %c0_i32, %c0_i32_0 : i32, i32
  }
  func.func @transform_2(%arg0: i32, %arg1: i32) -> (i32, i32) {
    %c0_i32 = arith.constant 0 : i32
    %c0_i32_0 = arith.constant 0 : i32
    %c0_i32_1 = arith.constant 0 : i32
    return %c0_i32, %c0_i32_0 : i32, i32
  }
  func.func @transform_3(%arg0: i32, %arg1: i32) -> (i32, i32) {
    %c0_i32 = arith.constant 0 : i32
    %c0_i32_0 = arith.constant 0 : i32
    %c0_i32_1 = arith.constant 0 : i32
    return %c0_i32, %c0_i32_0 : i32, i32
  }
  func.func @transform_4(%arg0: i32, %arg1: i32) -> (i32, i32) {
    %c0_i32 = arith.constant 0 : i32
    %c0_i32_0 = arith.constant 0 : i32
    %c0_i32_1 = arith.constant 0 : i32
    return %c0_i32, %c0_i32_0 : i32, i32
  }
  func.func @transform_5(%arg0: i32, %arg1: i32) -> (i32, i32) {
    %c0_i32 = arith.constant 0 : i32
    %c0_i32_0 = arith.constant 0 : i32
    %c0_i32_1 = arith.constant 0 : i32
    return %c0_i32, %c0_i32_0 : i32, i32
  }
  func.func @transform_6(%arg0: i32, %arg1: i32) -> (i32, i32, i32) {
    %c0_i32 = arith.constant 0 : i32
    %c0_i32_0 = arith.constant 0 : i32
    %c0_i32_1 = arith.constant 0 : i32
    return %arg0, %c0_i32, %c0_i32_0 : i32, i32, i32
  }
  func.func @transform_7(%arg0: i32, %arg1: i32) -> (i32, i32) {
    %c0_i32 = arith.constant 0 : i32
    %c0_i32_0 = arith.constant 0 : i32
    %c0_i32_1 = arith.constant 0 : i32
    return %c0_i32, %c0_i32_0 : i32, i32
  }
  func.func @transform_8(%arg0: i32, %arg1: i32) -> (i32, i32, i32) {
    %c0_i32 = arith.constant 0 : i32
    %c0_i32_0 = arith.constant 0 : i32
    %c0_i32_1 = arith.constant 0 : i32
    return %arg0, %c0_i32, %c0_i32_0 : i32, i32, i32
  }
  func.func @transform_9(%arg0: i32, %arg1: i32) -> (i32, i32) {
    %c0_i32 = arith.constant 0 : i32
    %c0_i32_0 = arith.constant 0 : i32
    %c0_i32_1 = arith.constant 0 : i32
    return %c0_i32, %c0_i32_0 : i32, i32
  }
  func.func @transform_10(%arg0: i32, %arg1: i32) -> (i32, i32, i32) {
    %c0_i32 = arith.constant 0 : i32
    %c0_i32_0 = arith.constant 0 : i32
    %c0_i32_1 = arith.constant 0 : i32
    return %arg0, %c0_i32, %c0_i32_0 : i32, i32, i32
  }
  func.func @transform_11(%arg0: i32, %arg1: i32) -> (i32, i32) {
    %c0_i32 = arith.constant 0 : i32
    %c0_i32_0 = arith.constant 0 : i32
    %c0_i32_1 = arith.constant 0 : i32
    return %c0_i32, %c0_i32_0 : i32, i32
  }
}

module attributes {stable_mosaic.version = 14 : i64} {
  func.func @_fin_kernel(%arg0: i32, %arg1: memref<1x1024x256xf32, #tpu.memory_space<vmem>>, %arg2: memref<1x256x1024xf32, #tpu.memory_space<vmem>>, %arg3: memref<8x256xf32, #tpu.memory_space<vmem>>, %arg4: memref<256x8xf32, #tpu.memory_space<vmem>>, %arg5: memref<1x256xf32, #tpu.memory_space<vmem>>, %arg6: memref<1x256xf32, #tpu.memory_space<vmem>>, %arg7: memref<256x1xf32, #tpu.memory_space<vmem>>, %arg8: memref<256x1xf32, #tpu.memory_space<vmem>>, %arg9: memref<1x256x1024xf32, #tpu.memory_space<vmem>>) attributes {dimension_semantics = [#tpu.dimension_semantics<arbitrary>], iteration_bounds = array<i64: 16>, scalar_prefetch = 0 : i64, scratch_operands = 0 : i64, tpu.core_type = #tpu.core_type<tc>, window_params = [{transform_indices = @transform_0, window_bounds = array<i64: 1, 1024, 256>}, {transform_indices = @transform_1, window_bounds = array<i64: 1, 256, 1024>}, {pipeline_mode = #tpu.pipeline_mode<synchronous>, transform_indices = @transform_2, window_bounds = array<i64: 8, 256>}, {pipeline_mode = #tpu.pipeline_mode<synchronous>, transform_indices = @transform_3, window_bounds = array<i64: 256, 8>}, {pipeline_mode = #tpu.pipeline_mode<synchronous>, transform_indices = @transform_4, window_bounds = array<i64: 1, 256>}, {pipeline_mode = #tpu.pipeline_mode<synchronous>, transform_indices = @transform_5, window_bounds = array<i64: 1, 256>}, {pipeline_mode = #tpu.pipeline_mode<synchronous>, transform_indices = @transform_6, window_bounds = array<i64: 256, 1>}, {pipeline_mode = #tpu.pipeline_mode<synchronous>, transform_indices = @transform_7, window_bounds = array<i64: 256, 1>}, {transform_indices = @transform_8, window_bounds = array<i64: 1, 256, 1024>}]} {
    %get3A = arith.constant 0 : index
    %get3A_0 = arith.constant 0 : index
    %get3A_1 = vector.load %arg3[%get3A, %get3A_0] : memref<8x256xf32, #tpu.memory_space<vmem>>, vector<1x256xf32>
    %get3A_2 = arith.constant 1 : index
    %get3A_3 = arith.constant 0 : index
    %get3A_4 = vector.load %arg3[%get3A_2, %get3A_3] : memref<8x256xf32, #tpu.memory_space<vmem>>, vector<1x256xf32>
    %mul3A = arith.constant 3.81469727E-6 : f32
    %mul3A_5 = vector.broadcast %mul3A : f32 to vector<1x256xf32>
    %mul3A_6 = arith.mulf %get3A_1, %mul3A_5 : vector<1x256xf32>
    %mul3A_7 = arith.constant 3.81469727E-6 : f32
    %mul3A_8 = vector.broadcast %mul3A_7 : f32 to vector<1x256xf32>
    %mul3A_9 = arith.mulf %get3A_4, %mul3A_8 : vector<1x256xf32>
    %mul3A_10 = arith.mulf %mul3A_6, %mul3A_6 : vector<1x256xf32>
    %sub3A = arith.subf %mul3A_9, %mul3A_10 : vector<1x256xf32>
    %get3A_11 = arith.constant 0 : index
    %get3A_12 = arith.constant 0 : index
    %get3A_13 = vector.load %arg5[%get3A_11, %get3A_12] : memref<1x256xf32, #tpu.memory_space<vmem>>, vector<1x256xf32>
    %add3A = arith.constant 1.000000e-03 : f32
    %add3A_14 = vector.broadcast %add3A : f32 to vector<1x256xf32>
    %add3A_15 = arith.addf %sub3A, %add3A_14 : vector<1x256xf32>
    %rsqrt3A = math.rsqrt %add3A_15 : vector<1x256xf32>
    %mul3A_16 = arith.mulf %get3A_13, %rsqrt3A : vector<1x256xf32>
    %get3A_17 = arith.constant 0 : index
    %get3A_18 = arith.constant 0 : index
    %get3A_19 = vector.load %arg6[%get3A_17, %get3A_18] : memref<1x256xf32, #tpu.memory_space<vmem>>, vector<1x256xf32>
    %mul3A_20 = arith.mulf %mul3A_6, %mul3A_16 : vector<1x256xf32>
    %sub3A_21 = arith.subf %get3A_19, %mul3A_20 : vector<1x256xf32>
    %get3A_22 = arith.constant 0 : index
    %get3A_23 = arith.constant 0 : index
    %get3A_24 = arith.constant 0 : index
    %get3A_25 = vector.load %arg1[%get3A_22, %get3A_23, %get3A_24] : memref<1x1024x256xf32, #tpu.memory_space<vmem>>, vector<1x1024x256xf32>
    %get3A_26 = vector.shape_cast %get3A_25 : vector<1x1024x256xf32> to vector<1024x256xf32>
    %mul3A_27 = arith.constant 6.250000e-02 : f32
    %mul3A_28 = vector.broadcast %mul3A_27 : f32 to vector<1024x256xf32>
    %mul3A_29 = arith.mulf %get3A_26, %mul3A_28 : vector<1024x256xf32>
    %mul3A_30 = vector.broadcast %mul3A_16 : vector<1x256xf32> to vector<1024x256xf32>
    %mul3A_31 = arith.mulf %mul3A_29, %mul3A_30 : vector<1024x256xf32>
    %add3A_32 = vector.broadcast %sub3A_21 : vector<1x256xf32> to vector<1024x256xf32>
    %add3A_33 = arith.addf %mul3A_31, %add3A_32 : vector<1024x256xf32>
    %transpose3A = tpu.transpose %add3A_33, [1, 0] : vector<1024x256xf32> -> vector<256x1024xf32>
    %get3A_34 = arith.constant 0 : index
    %get3A_35 = arith.constant 0 : index
    %get3A_36 = vector.load %arg4[%get3A_34, %get3A_35] : memref<256x8xf32, #tpu.memory_space<vmem>>, vector<256x1xf32>
    %get3A_37 = arith.constant 0 : index
    %get3A_38 = arith.constant 1 : index
    %get3A_39 = vector.load %arg4[%get3A_37, %get3A_38] : memref<256x8xf32, #tpu.memory_space<vmem>>, vector<256x1xf32>
    %mul3A_40 = arith.constant 6.10351563E-5 : f32
    %mul3A_41 = vector.broadcast %mul3A_40 : f32 to vector<256x1xf32>
    %mul3A_42 = arith.mulf %get3A_36, %mul3A_41 : vector<256x1xf32>
    %mul3A_43 = arith.constant 6.10351563E-5 : f32
    %mul3A_44 = vector.broadcast %mul3A_43 : f32 to vector<256x1xf32>
    %mul3A_45 = arith.mulf %get3A_39, %mul3A_44 : vector<256x1xf32>
    %mul3A_46 = arith.mulf %mul3A_42, %mul3A_42 : vector<256x1xf32>
    %sub3A_47 = arith.subf %mul3A_45, %mul3A_46 : vector<256x1xf32>
    %get3A_48 = arith.constant 0 : index
    %get3A_49 = arith.constant 0 : index
    %get3A_50 = vector.load %arg7[%get3A_48, %get3A_49] : memref<256x1xf32, #tpu.memory_space<vmem>>, vector<256x1xf32>
    %add3A_51 = arith.constant 1.000000e-03 : f32
    %add3A_52 = vector.broadcast %add3A_51 : f32 to vector<256x1xf32>
    %add3A_53 = arith.addf %sub3A_47, %add3A_52 : vector<256x1xf32>
    %rsqrt3A_54 = math.rsqrt %add3A_53 : vector<256x1xf32>
    %mul3A_55 = arith.mulf %get3A_50, %rsqrt3A_54 : vector<256x1xf32>
    %get3A_56 = arith.constant 0 : index
    %get3A_57 = arith.constant 0 : index
    %get3A_58 = vector.load %arg8[%get3A_56, %get3A_57] : memref<256x1xf32, #tpu.memory_space<vmem>>, vector<256x1xf32>
    %mul3A_59 = arith.mulf %mul3A_42, %mul3A_55 : vector<256x1xf32>
    %sub3A_60 = arith.subf %get3A_58, %mul3A_59 : vector<256x1xf32>
    %get3A_61 = arith.constant 0 : index
    %get3A_62 = arith.constant 0 : index
    %get3A_63 = arith.constant 0 : index
    %get3A_64 = vector.load %arg2[%get3A_61, %get3A_62, %get3A_63] : memref<1x256x1024xf32, #tpu.memory_space<vmem>>, vector<1x256x1024xf32>
    %get3A_65 = vector.shape_cast %get3A_64 : vector<1x256x1024xf32> to vector<256x1024xf32>
    %mul3A_66 = vector.broadcast %mul3A_55 : vector<256x1xf32> to vector<256x1024xf32>
    %mul3A_67 = arith.mulf %get3A_65, %mul3A_66 : vector<256x1024xf32>
    %add3A_68 = vector.broadcast %sub3A_60 : vector<256x1xf32> to vector<256x1024xf32>
    %add3A_69 = arith.addf %mul3A_67, %add3A_68 : vector<256x1024xf32>
    %add3A_70 = arith.addf %transpose3A, %add3A_69 : vector<256x1024xf32>
    %max3A = arith.constant 0.000000e+00 : f32
    %max3A_71 = vector.broadcast %max3A : f32 to vector<256x1024xf32>
    %max3A_72 = arith.maximumf %add3A_70, %max3A_71 : vector<256x1024xf32>
    %swap3A = arith.constant 0 : index
    %swap3A_73 = arith.constant 0 : index
    %swap3A_74 = arith.constant 0 : index
    %swap3A_75 = vector.load %arg9[%swap3A, %swap3A_73, %swap3A_74] : memref<1x256x1024xf32, #tpu.memory_space<vmem>>, vector<1x256x1024xf32>
    %swap3A_76 = vector.shape_cast %swap3A_75 : vector<1x256x1024xf32> to vector<256x1024xf32>
    %swap3A_77 = vector.shape_cast %max3A_72 : vector<256x1024xf32> to vector<1x256x1024xf32>
    tpu.vector_store %arg9[%swap3A, %swap3A_73, %swap3A_74], %swap3A_77 {strides = array<i32>} : memref<1x256x1024xf32, #tpu.memory_space<vmem>>, vector<1x256x1024xf32>,
    return
  }
  func.func @transform_0(%arg0: i32) -> (i32, i32, i32) {
    %c0_i32 = arith.constant 0 : i32
    %c0_i32_0 = arith.constant 0 : i32
    %c0_i32_1 = arith.constant 0 : i32
    return %arg0, %c0_i32, %c0_i32_0 : i32, i32, i32
  }
  func.func @transform_1(%arg0: i32) -> (i32, i32, i32) {
    %c0_i32 = arith.constant 0 : i32
    %c0_i32_0 = arith.constant 0 : i32
    %c0_i32_1 = arith.constant 0 : i32
    return %arg0, %c0_i32, %c0_i32_0 : i32, i32, i32
  }
  func.func @transform_2(%arg0: i32) -> (i32, i32) {
    %c0_i32 = arith.constant 0 : i32
    %c0_i32_0 = arith.constant 0 : i32
    %c0_i32_1 = arith.constant 0 : i32
    return %c0_i32, %c0_i32_0 : i32, i32
  }
  func.func @transform_3(%arg0: i32) -> (i32, i32) {
    %c0_i32 = arith.constant 0 : i32
    %c0_i32_0 = arith.constant 0 : i32
    %c0_i32_1 = arith.constant 0 : i32
    return %c0_i32, %c0_i32_0 : i32, i32
  }
  func.func @transform_4(%arg0: i32) -> (i32, i32) {
    %c0_i32 = arith.constant 0 : i32
    %c0_i32_0 = arith.constant 0 : i32
    %c0_i32_1 = arith.constant 0 : i32
    return %c0_i32, %c0_i32_0 : i32, i32
  }
  func.func @transform_5(%arg0: i32) -> (i32, i32) {
    %c0_i32 = arith.constant 0 : i32
    %c0_i32_0 = arith.constant 0 : i32
    %c0_i32_1 = arith.constant 0 : i32
    return %c0_i32, %c0_i32_0 : i32, i32
  }
  func.func @transform_6(%arg0: i32) -> (i32, i32) {
    %c0_i32 = arith.constant 0 : i32
    %c0_i32_0 = arith.constant 0 : i32
    %c0_i32_1 = arith.constant 0 : i32
    return %c0_i32, %c0_i32_0 : i32, i32
  }
  func.func @transform_7(%arg0: i32) -> (i32, i32) {
    %c0_i32 = arith.constant 0 : i32
    %c0_i32_0 = arith.constant 0 : i32
    %c0_i32_1 = arith.constant 0 : i32
    return %c0_i32, %c0_i32_0 : i32, i32
  }
  func.func @transform_8(%arg0: i32) -> (i32, i32, i32) {
    %c0_i32 = arith.constant 0 : i32
    %c0_i32_0 = arith.constant 0 : i32
    %c0_i32_1 = arith.constant 0 : i32
    return %arg0, %c0_i32, %c0_i32_0 : i32, i32, i32
  }
}

</mosaic_0001>

<sc_bundles>
// kernel: kernel.8.cloned.1.call-start
scs
__scs_entry_jumppad:
0x0: {  	(pc) =	sbr.rel $0x88, $3  }
0x1: {  	(tag) =	ssettag $0x0;
	lr =	simm.s32 $0x1  }
0x2: {  	[smem:$0x3F91] =	sst lr;
	_ =	strace $0xD0000000  }
0x3: {  	_ = 	snop  }
0x4: {  	_ = 	snop  }
0x5: {  	_ = 	snop  }
0x6: {  	_ = 	snop  }
0x7: {  	_ = 	snop  }
__scs_overlays_trampoline_lowered:
0x8: {  	[smem:$0x3FA0] =	sst s0  }
0x9: {  	[smem:$0x3FA1] =	sst s1  }
0xa: {  	[smem:$0x3FA2] =	sst s2  }
0xb: {  	[smem:$0x3FA3] =	sst s3  }
0xc: {  	[smem:$0x3FA4] =	sst s4  }
0xd: {  	[smem:$0x3FA5] =	sst s5  }
0xe: {  	[smem:$0x3FA6] =	sst s6  }
0xf: {  	[smem:$0x3FA7] =	sst s7  }
0x10: {  	[smem:$0x3FA8] =	sst s8  }
0x11: {  	[smem:$0x3FA9] =	sst s9;
	s0 =	simm.s32 @!p0 $0x0  }
0x12: {  	s1 =	sld [smem:$0x3F8F];
	s0 =	simm.s32 @p0 $0x1  }
0x13: {  	[smem:$0x3FAA] =	sst s0;
	s0 =	simm.s32 @!p1 $0x0  }
0x14: {  	s2 =	sld [smem:$0x3F8E];
	s0 =	simm.s32 @p1 $0x1  }
0x15: {  	[smem:$0x3FAB] =	sst s0;
	s0 =	simm.s32 @!p2 $0x0  }
0x16: {  	s3 =	sld [smem:$0x3FDB];
	s0 =	simm.s32 @p2 $0x1  }
0x17: {  	s4 =	simm.s32 $0x1BF5;
	[smem:$0x3FAD] =	sst s0  }
0x18: {  	s0 =	sld [smem:$0x3F90];
	_ =	swait.ge [sflag:s4], $0x0  }
0x19: {  	s7 =	sld [smem:$0x3F91]  }
0x1a: {  	s8 =	sadd.s32 $0xFFFFE003, lr  }
0x1b: {  	s9 =	sadd.s32 $0xFFFFFEF7, lr;
	s5 =	simm.s32 $0xFFFFFFFF;
	p2 =	slt.u32 s8, $0xFFFFF086  }
0x1c: {  	p1 =	slt.u32 s9, $0xF7A;
	s5 =	simm.s32 @!p2 $0x0  }
0x1d: {  	s5 =	simm.s32 @p1 $0x1;
	p0 =	seq.s32 s7, s2  }
0x1e: {  	s7 =	smul.u32 @!p0 $0xF7A, s2;
	p2 =	seq.s32 @!p0 s5, $0x0  }
0x1f: {  	s9 =	smul.u32 $0xF7A, s1;
	s8 =	simm.s32 @!p0 $0x1BF5;
	p2 =	por !p2, p0  }
0x20: {  	[sflag:s8] =	ssyncset.s32 @!p0 $0xFFFFF086;
	s6 =	sadd.s32 @!p0 s3, s7;
	s7 =	simm.s32 @!p0 $0x108  }
0x21: {  	s3 =	sadd.s32 s3, s9;
	s6 =	sadd.s32 @!p0 $0x88, s6;
	s7 =	simm.s32 @p2 $0x1082  }
0x22: {  	[simem:s7], [sflag:s8] =	dma.local @!p0 [hbm:s6], $0xF7A  }
0x23: {  	s9 =	sor.u32 $0xD0000000, s2;
	s6 =	simm.s32 $0x108;
	_ =	swait.ge @!p0 [sflag:s8], $0x0  }
0x24: {  	s3 =	sadd.s32 $0x88, s3;
	s6 =	simm.s32 @!p1 $0x1082;
	[sflag:s4] =	ssyncset.s32 $0xFFFFF086  }
0x25: {  	[simem:s6], [sflag:s4] =	dma.local [hbm:s3], $0xF7A  }
0x26: {  	[smem:$0x3F91] =	sst s1;
	(tag) =	ssettag s2;
	_ =	strace s9  }
0x27: {  	s1 =	sld [smem:$0x3FA1]  }
0x28: {  	s2 =	sld [smem:$0x3FA2]  }
0x29: {  	s4 =	sld [smem:$0x3FA4]  }
0x2a: {  	p0 =	seq.s32 s5, $0x0;
	s5 =	sld [smem:$0x3FA5]  }
0x2b: {  	s6 =	sld [smem:$0x3FA6]  }
0x2c: {  	s7 =	sld [smem:$0x3FA7]  }
0x2d: {  	s3 =	simm.s32 $0x108;
	s8 =	sld [smem:$0x3FA8]  }
0x2e: {  	s3 =	simm.s32 @!p0 $0x1082;
	s9 =	sld [smem:$0x3FA9]  }
0x2f: {  	lr =	sadd.s32 s0, s3;
	s0 =	sld [smem:$0x3FA0]  }
0x30: {  	s3 =	sld [smem:$0x3FA3]  }
0x31: {  	[smem:$0x3FAC] =	sst s10  }
0x32: {  	s10 =	sld [smem:$0x3FAA];
	_ =	sdelay $0x3  }
0x33: {  	p0 =	seq.s32 s10, $0x1;
	s10 =	sld [smem:$0x3FAC];
	_ =	sdelay $0x3  }
0x34: {  	[smem:$0x3FAC] =	sst s10  }
0x35: {  	s10 =	sld [smem:$0x3FAB];
	_ =	sdelay $0x3  }
0x36: {  	p1 =	seq.s32 s10, $0x1;
	s10 =	sld [smem:$0x3FAC];
	_ =	sdelay $0x3  }
0x37: {  	[smem:$0x3FAC] =	sst s10  }
0x38: {  	s10 =	sld [smem:$0x3FAD]  }
0x39: {  	_ = 	snop;
	(pc) =	sbr.ind lr, $3  }
0x3a: {  	_ = 	snop  }
0x3b: {  	_ = 	snop  }
0x3c: {  	p2 =	seq.s32 s10, $0x1;
	s10 =	sld [smem:$0x3FAC]  }
0x3d: {  	_ =	shalt  }
0x3e: {  	_ =	shalt  }
0x3f: {  	_ =	shalt  }
0x40: {  	_ =	shalt  }
0x41: {  	_ =	shalt  }
0x42: {  	_ =	shalt  }
0x43: {  	_ =	shalt  }
0x44: {  	_ =	shalt  }
0x45: {  	_ =	shalt  }
0x46: {  	_ =	shalt  }
0x47: {  	_ =	shalt  }
0x48: {  	_ =	shalt  }
0x49: {  	_ =	shalt  }
0x4a: {  	_ =	shalt  }
0x4b: {  	_ =	shalt  }
0x4c: {  	_ =	shalt  }
0x4d: {  	_ =	shalt  }
0x4e: {  	_ =	shalt  }
0x4f: {  	_ =	shalt  }
0x50: {  	_ =	shalt  }
0x51: {  	_ =	shalt  }
0x52: {  	_ =	shalt  }
0x53: {  	_ =	shalt  }
0x54: {  	_ =	shalt  }
0x55: {  	_ =	shalt  }
0x56: {  	_ =	shalt  }
0x57: {  	_ =	shalt  }
0x58: {  	_ =	shalt  }
0x59: {  	_ =	shalt  }
0x5a: {  	_ =	shalt  }
0x5b: {  	_ =	shalt  }
0x5c: {  	_ =	shalt  }
0x5d: {  	_ =	shalt  }
0x5e: {  	_ =	shalt  }
0x5f: {  	_ =	shalt  }
0x60: {  	_ =	shalt  }
0x61: {  	_ =	shalt  }
0x62: {  	_ =	shalt  }
0x63: {  	_ =	shalt  }
0x64: {  	_ =	shalt  }
0x65: {  	_ =	shalt  }
0x66: {  	_ =	shalt  }
0x67: {  	_ =	shalt  }
0x68: {  	_ =	shalt  }
0x69: {  	_ =	shalt  }
0x6a: {  	_ =	shalt  }
0x6b: {  	_ =	shalt  }
0x6c: {  	_ =	shalt  }
0x6d: {  	_ =	shalt  }
0x6e: {  	_ =	shalt  }
0x6f: {  	_ =	shalt  }
0x70: {  	_ =	shalt  }
0x71: {  	_ =	shalt  }
0x72: {  	_ =	shalt  }
0x73: {  	_ =	shalt  }
0x74: {  	_ =	shalt  }
0x75: {  	_ =	shalt  }
0x76: {  	_ =	shalt  }
0x77: {  	_ =	shalt  }
0x78: {  	_ =	shalt  }
0x79: {  	_ =	shalt  }
0x7a: {  	_ =	shalt  }
0x7b: {  	_ =	shalt  }
0x7c: {  	_ =	shalt  }
0x7d: {  	_ =	shalt  }
0x7e: {  	_ =	shalt  }
0x7f: {  	_ =	shalt  }
0x80: {  	_ =	shalt  }
0x81: {  	_ =	shalt  }
0x82: {  	_ =	shalt  }
0x83: {  	_ =	shalt  }
0x84: {  	_ =	shalt  }
0x85: {  	_ =	shalt  }
0x86: {  	_ =	shalt  }
0x87: {  	_ =	shalt  }
.Lfunc_end0:
.L_simem_size_0:
called_computation_lowered:
.L_overlay_start_0:
0x88: {  	s2 =	sld [smem:$0x3FD9]  }
0x89: {  	s3 =	sld [smem:$0x3FFE];
	_ =	sdelay $0x1  }
0x8a: {  	s1 =	srdreg.scid  }
0x8b: {  	s0 =	sand.u32 $0x1, s1  }
0x8c: {  	s17 =	sshll.u32 s0, $0xA;
	s2 =	sadd.s32 s3, s2  }
0x8d: {  	s2 =	sadd.s32 s2, s17  }
0x8e: {  	[smem:$0x3FB8] =	sst s2  }
0x8f: {  	_ = 	snop  }
0x90: {  	s2 =	sld [smem:$0x3FD0];
	(tm) =	ssettm $0x1  }
0x91: {  	s18 =	sld [smem:$0x3FFB];
	_ =	sdelay $0x3  }
0x92: {  	_ =	strace s18  }
0x93: {  	s3 =	sld [smem:$0x3FFC];
	_ =	sdelay $0x3  }
0x94: {  	_ =	strace s3  }
0x95: {  	s3 =	sld [smem:$0x3FFD];
	_ =	sdelay $0x3  }
0x96: {  	_ =	strace s3  }
0x97: {  	_ =	strace $0x8FFFFFFF  }
0x98: {  	s19 =	sld [smem:$0x3FDB];
	_ =	sdelay $0x1  }
0x99: {  	s4 =	simm.s32 $_scs_section_size  }
0x9a: {  	s5 =	simm.s32 $_size__tile_overlayer_lowered;
	s6 =	simm.s32 $_tile_overlayer_lowered  }
0x9b: {  	s22 =	simm.s32 $0x1BFF;
	s21 =	sshll.u32 s6, $0x1;
	s3 =	sadd.s32 s4, s19  }
0x9c: {  	s7 =	simm.s32 $0x0;
	s20 =	sshll.u32 s5, $0x1;
	s5 =	sadd.s32 s21, s3  }
0x9d: {  	[timem:s7], [sflag:s22] =	dma.local [hbm:s5], s20  }
0x9e: {  	_ =	swait.ge [sflag:s22], s20  }
0x9f: {  	s4 =	ssub.s32 $0x0, s20;
	[sflag:s22] =	ssyncset.done $0x0  }
0xa0: {  	[sflag:s22] =	ssyncadd.s32 s4;
	_ =	sdelay $0x1  }
0xa1: {  	s23 =	simm.s32 $0x1B8B  }
0xa2: {  	_ =	swait.ge [sflag:s23], $0x1  }
0xa3: {  	[sflag:s23] =	ssyncset.done $0x0  }
0xa4: {  	s25 =	simm.s32 $0x1B8E;
	s24 =	sld [smem:$0x3FFE];
	[sflag:s23] =	ssyncadd.s32 $0xFFFFFFFF  }
0xa5: {  	s26 =	simm.s32 $execute0_lowered;
	[smem:$0x3FD2] =	sst s25  }
0xa6: {  	s5 =	sshll.u32 s26, $0x1;
	_ =	strace $0x80000046;
	[dreg:$0x1] =	wrdreg $0xFFFFFFFF  }
0xa7: {  	s28 =	simm.s32 $_size_execute0_lowered;
	s3 =	sadd.s32 s3, s5;
	[dreg:$0x0] =	wrdreg $0x0  }
0xa8: {  	s5 =	sshll.u32 s28, $0x1;
	[dreg:$0x2] =	wrdreg s3  }
0xa9: {  	[dreg:$0x3] =	wrdreg s5  }
0xaa: {  	[dreg:$0x4] =	wrdreg $0xC0  }
0xab: {  	_ =	task [dreg:s7], $0x5FFFF  }
0xac: {  	[dreg:$0x1] =	wrdreg $0xFFFFFFFF  }
0xad: {  	[dreg:$0x0] =	wrdreg $0x60  }
0xae: {  	[dreg:$0x2] =	wrdreg s2  }
0xaf: {  	[dreg:$0x3] =	wrdreg s24  }
0xb0: {  	[dreg:$0x4] =	wrdreg $0x9  }
0xb1: {  	_ =	task.clear_ibuf [dreg:s7], $0x5FFFF;
	_ =	strace $0x90000046  }
0xb2: {  	s29 =	simm.s32 $0x9;
	_ =	strace $0x80000048  }
0xb3: {  	_ =	swait.ge [sflag:s29], $0x1  }
0xb4: {  	[sflag:s29] =	ssyncadd.s32 $0xFFFFFFFF  }
0xb5: {  	_ =	strace $0x90000048  }
0xb6: {  	_ =	sfence  }
0xb7: {  	s30 =	sld [smem:$0x0];
	_ =	sdelay $0x2  }
0xb8: {  	s31 =	sshll.u32 s1, $0xD;
	s1 =	sshrl.u32 s1, $0x2  }
0xb9: {  	s3 =	sand.u32 $0x4000, s31;
	s1 =	sadd.s32 s1, s30  }
0xba: {  	s0 =	sor.u32 s3, s0;
	s1 =	sshll.u32 s1, $0x11  }
0xbb: {  	s0 =	sor.u32 s1, s0  }
0xbc: {  	s0 =	sadd.s32 $0x8F2B, s0  }
0xbd: {  	[sflag:s0] =	ssyncadd.remote.s32 $0x1  }
0xbe: {  	_ =	sfence.sel $0xFFFF  }
0xbf: {  	[dreg:$0x0] =	wrdreg $0xFFFFFFFF;
	(pc) =	sbr.abs _section_cstart, $3  }
0xc0: {  	[dreg:$0x1] =	wrdreg $0xFFFFFFFF  }
0xc1: {  	_ =	task.clear_ibuf [dreg:s7], $0x2FFFF;
	_ =	strace $0x9FFFFFFF  }
0xc2: {  	(tm) =	ssettm $0x7FFFFFFF  }
0xc3: {  	_ =	shalt  }
tec
execute0_lowered:
.L_overlay_start_1:
0x0: {  	(tag) =	ssettag $0x1  }
0x1: {  	s1 =	rddreg [dreg:$0x0]  }
0x2: {  	s0 =	rddreg [dreg:$0x1]  }
0x3: {  	s4 =	srdreg.scid;
	s3 =	simm.s32 $0x0;
	s2 =	stileid.u32  }
0x4: {  	s15 =	simm.s32 $0x80;
	s16 =	simm.s32 $0x200;
	s17 =	simm.s32 $0x4200  }
0x5: {  	s18 =	simm.s32 $0x100;
	s19 =	simm.s32 $0x8200;
	s8 =	sand.u32 $0x1, s4  }
0x6: {  	[smem:$0x7FF] =	sst s3;
	s20 =	sshll.u32 s2, $0xE;
	s13 =	sadd.s32 $0x43600, s0  }
0x7: {  	s21 =	sshll.u32 s2, $0x12;
	s5 =	sshll.u32 s8, $0xD;
	_ =	strace $0x80000047  }
0x8: {  	s22 =	ssub.s32 $0x2, s8;
	s0 =	sadd.s32 s21, s0;
	s10 =	sshll.u32 s8, $0x11  }
0x9: {  	s21 =	simm.s32 $0xC200;
	s11 =	sor.u32 s5, s20;
	s7 =	sshrl.u32 s22, $0x1  }
0xa: {  	s0 =	sadd.s32 s10, s0;
	s20 =	simm.s32 $0x180;
	s6 =	sshrl.u32 s11, $0x3  }
0xb: {  	s9 =	ssub.s32 s22, s7;
	s12 =	sor.u32 $0x380, s11;
	s29 =	sor.u32 $0x300, s11  }
0xc: {  	s30 =	sor.u32 $0x280, s11;
	s14 =	sor.u32 $0x200, s11;
	s22 =	simm.s32 $0x1  }
0xd: {  	s4 =	sadd.s32 s13, s6;
	s26 =	smax.u32 s9, $0x1;
	s28 =	sshrl.u32 s12, $0x3  }
0xe: {  	s9 =	sadd.s32 $0x4B600, s0;
	s0 =	sshrl.u32 s29, $0x3;
	s31 =	sshrl.u32 s30, $0x3  }
0xf: {  	s14 =	sshrl.u32 s14, $0x3;
	s23 =	sadd.s32 $0x10, s4;
	s24 =	sadd.s32 $0x20, s4  }
.Ltmp0:
0x10: {  	s25 =	sadd.s32 $0x30, s4;
	[dreg:$0x6] =	wrdreg s26;
	(pc) =	sbr.rel .LBB2_1-.Ltmp0, $4  }
0x11: {  	s10 =	sadd.s32 s28, s13;
	s11 =	sadd.s32 s0, s13;
	[dreg:$0x3] =	wrdreg s23  }
0x12: {  	s12 =	sadd.s32 s31, s13;
	s13 =	sadd.s32 s14, s13;
	[dreg:$0x4] =	wrdreg s24  }
0x13: {  	s14 =	simm.s32 $0x5;
	s26 =	simm.s32 $0x0;
	[dreg:$0x5] =	wrdreg s25  }
0x14: {  	s23 =	simm.s32 $0x2;
	s24 =	simm.s32 $0x3;
	s25 =	simm.s32 $0x4  }
.LBB2_4:
0x15: {  	s26 =	sadd.s32 $0x1, s26;
	s0 =	rddreg [dreg:$0x6]  }
0x16: {  	p0 =	sne.s32 s26, s0  }
.Ltmp1:
0x17: {  	_ = 	snop;
	(pc) =	sbr.rel @!p0 .LBB2_5-.Ltmp1, $1  }
0x18: {  	_ =	sdelay $0x3  }
.LBB2_1:
0x19: {  	[tilespmem:s3], [sflag:$0x5] =	stream.linear.gather [hbm4b:s4+s3], $0x80, $0x38;
	[tilespmem:$0x10200] =	vst v63  }
0x1a: {  	_ =	swait.ge [sflag:s14], $0x80  }
0x1b: {  	[sflag:s14] =	ssyncset.done $0x0  }
0x1c: {  	[sflag:s14] =	ssyncadd.s32 $0xFFFFFF80  }
0x1d: {  	[tilespmem:s16], [sflag:$0x1] =	stream.indirect.gather [hbm4b:s1+s15], $0x80, s3, s15, $0xb8;
	[tilespmem:$0x10200] =	vst v63  }
0x1e: {  	s0 =	rddreg [dreg:$0x3]  }
0x1f: {  	[tilespmem:s15], [sflag:$0x5] =	stream.linear.gather [hbm4b:s0+s3], $0x80, $0x38;
	[tilespmem:$0x10200] =	vst v63  }
0x20: {  	_ =	swait.ge [sflag:s14], $0x80  }
0x21: {  	[sflag:s14] =	ssyncset.done $0x0  }
0x22: {  	[sflag:s14] =	ssyncadd.s32 $0xFFFFFF80  }
0x23: {  	[tilespmem:s17], [sflag:$0x2] =	stream.indirect.gather [hbm4b:s1+s15], $0x80, s15, s15, $0xb8;
	[tilespmem:$0x10200] =	vst v63  }
0x24: {  	s7 =	rddreg [dreg:$0x4]  }
0x25: {  	[tilespmem:s18], [sflag:$0x5] =	stream.linear.gather [hbm4b:s7+s3], $0x80, $0x38;
	[tilespmem:$0x10200] =	vst v63  }
0x26: {  	_ =	swait.ge [sflag:s14], $0x80  }
0x27: {  	[sflag:s14] =	ssyncset.done $0x0  }
0x28: {  	[sflag:s14] =	ssyncadd.s32 $0xFFFFFF80  }
0x29: {  	[tilespmem:s19], [sflag:$0x3] =	stream.indirect.gather [hbm4b:s1+s15], $0x80, s18, s15, $0xb8;
	[tilespmem:$0x10200] =	vst v63  }
0x2a: {  	s8 =	rddreg [dreg:$0x5]  }
0x2b: {  	[tilespmem:s20], [sflag:$0x5] =	stream.linear.gather [hbm4b:s8+s3], $0x80, $0x38;
	[tilespmem:$0x10200] =	vst v63  }
0x2c: {  	s28 =	smov.u32 s13;
	_ =	swait.ge [sflag:s14], $0x80  }
0x2d: {  	s29 =	smov.u32 s12;
	s30 =	smov.u32 s11;
	[sflag:s14] =	ssyncset.done $0x0  }
0x2e: {  	s31 =	smov.u32 s10;
	s0 =	simm.s32 $0x0;
	[sflag:s14] =	ssyncadd.s32 $0xFFFFFF80  }
0x2f: {  	[tilespmem:s21], [sflag:$0x4] =	stream.indirect.gather [hbm4b:s1+s15], $0x80, s20, s15, $0xb8;
	[tilespmem:$0x10200] =	vst v63  }
.LBB2_2:
0x30: {  	_ =	swait.ge [sflag:s22], $0x4000  }
0x31: {  	[sflag:s22] =	ssyncset.done $0x0  }
0x32: {  	s2 =	sadd.s32 s0, s9;
	[sflag:s22] =	ssyncadd.s32 $0xFFFFC000  }
0x33: {  	[hbm4b:s2+s3] =	stream.linear.scatter [tilespmem:s16], [sflag:$0x5], $0x4000, $0x38;
	[tilespmem:$0x10200] =	vst v63  }
0x34: {  	_ =	swait.ge [sflag:s14], $0x4000  }
0x35: {  	p0 =	seq.s32 s0, $0x1E000;
	[sflag:s14] =	ssyncset.done $0x0  }
0x36: {  	s5 =	simm.s32 @!p0 $0x0;
	s6 =	simm.s32 @!p0 $0x5;
	[sflag:s14] =	ssyncadd.s32 $0xFFFFC000  }
0x37: {  	[tilespmem:s5], [sflag:$0x5] =	stream.linear.gather @!p0 [hbm4b:s28+s5], $0x80, $0x38;
	[tilespmem:$0x10200] =	vst v63  }
0x38: {  	_ =	swait.ge @!p0 [sflag:s6], $0x80  }
0x39: {  	[sflag:s6] =	ssyncset.done @!p0 $0x0  }
0x3a: {  	s7 =	simm.s32 @!p0 $0x80;
	s8 =	simm.s32 @!p0 $0x200;
	[sflag:s6] =	ssyncadd.s32 @!p0 $0xFFFFFF80  }
0x3b: {  	[tilespmem:s8], [sflag:$0x1] =	stream.indirect.gather @!p0 [hbm4b:s1+s7], $0x80, s5, s7, $0xb8;
	[tilespmem:$0x10200] =	vst v63  }
0x3c: {  	_ =	swait.ge [sflag:s23], $0x4000  }
0x3d: {  	[sflag:s23] =	ssyncset.done $0x0  }
0x3e: {  	s8 =	sadd.s32 $0x800, s2;
	[sflag:s23] =	ssyncadd.s32 $0xFFFFC000  }
0x3f: {  	[hbm4b:s8+s3] =	stream.linear.scatter [tilespmem:s17], [sflag:$0x5], $0x4000, $0x38;
	[tilespmem:$0x10200] =	vst v63  }
0x40: {  	_ =	swait.ge [sflag:s14], $0x4000  }
0x41: {  	[sflag:s14] =	ssyncset.done $0x0  }
0x42: {  	[sflag:s14] =	ssyncadd.s32 $0xFFFFC000  }
0x43: {  	[tilespmem:s7], [sflag:$0x5] =	stream.linear.gather @!p0 [hbm4b:s29+s5], $0x80, $0x38;
	[tilespmem:$0x10200] =	vst v63  }
0x44: {  	_ =	swait.ge @!p0 [sflag:s6], $0x80  }
0x45: {  	[sflag:s6] =	ssyncset.done @!p0 $0x0  }
0x46: {  	s8 =	simm.s32 @!p0 $0x4200;
	[sflag:s6] =	ssyncadd.s32 @!p0 $0xFFFFFF80  }
0x47: {  	[tilespmem:s8], [sflag:$0x2] =	stream.indirect.gather @!p0 [hbm4b:s1+s7], $0x80, s7, s7, $0xb8;
	[tilespmem:$0x10200] =	vst v63  }
0x48: {  	_ =	swait.ge [sflag:s24], $0x4000  }
0x49: {  	[sflag:s24] =	ssyncset.done $0x0  }
0x4a: {  	s8 =	sadd.s32 $0x1000, s2;
	[sflag:s24] =	ssyncadd.s32 $0xFFFFC000  }
0x4b: {  	[hbm4b:s8+s3] =	stream.linear.scatter [tilespmem:s19], [sflag:$0x5], $0x4000, $0x38;
	[tilespmem:$0x10200] =	vst v63  }
0x4c: {  	_ =	swait.ge [sflag:s14], $0x4000  }
0x4d: {  	[sflag:s14] =	ssyncset.done $0x0  }
0x4e: {  	s8 =	simm.s32 @!p0 $0x100;
	[sflag:s14] =	ssyncadd.s32 $0xFFFFC000  }
0x4f: {  	[tilespmem:s8], [sflag:$0x5] =	stream.linear.gather @!p0 [hbm4b:s30+s5], $0x80, $0x38;
	[tilespmem:$0x10200] =	vst v63  }
0x50: {  	_ =	swait.ge @!p0 [sflag:s6], $0x80  }
0x51: {  	[sflag:s6] =	ssyncset.done @!p0 $0x0  }
0x52: {  	s5 =	simm.s32 @!p0 $0x8200;
	[sflag:s6] =	ssyncadd.s32 @!p0 $0xFFFFFF80  }
0x53: {  	[tilespmem:s5], [sflag:$0x3] =	stream.indirect.gather @!p0 [hbm4b:s1+s7], $0x80, s8, s7, $0xb8;
	[tilespmem:$0x10200] =	vst v63  }
0x54: {  	_ =	swait.ge [sflag:s25], $0x4000  }
0x55: {  	[sflag:s25] =	ssyncset.done $0x0  }
.Ltmp2:
0x56: {  	s2 =	sadd.s32 $0x1800, s2;
	[sflag:s25] =	ssyncadd.s32 $0xFFFFC000;
	(pc) =	sbr.rel @p0 .LBB2_4-.Ltmp2, $4  }
0x57: {  	[hbm4b:s2+s3] =	stream.linear.scatter [tilespmem:s21], [sflag:$0x5], $0x4000, $0x38;
	[tilespmem:$0x10200] =	vst v63  }
0x58: {  	_ =	swait.ge [sflag:s14], $0x4000  }
0x59: {  	[sflag:s14] =	ssyncset.done $0x0  }
0x5a: {  	[sflag:s14] =	ssyncadd.s32 $0xFFFFC000  }
0x5b: {  	[tilespmem:s20], [sflag:$0x5] =	stream.linear.gather [hbm4b:s31+s3], $0x80, $0x38;
	[tilespmem:$0x10200] =	vst v63  }
.Ltmp3:
0x5c: {  	_ = 	snop;
	(pc) =	sbr.rel .LBB2_2-.Ltmp3, $4  }
0x5d: {  	s0 =	sadd.s32 $0x2000, s0;
	_ =	swait.ge [sflag:s14], $0x80  }
0x5e: {  	s31 =	sadd.s32 $0x40, s31;
	s30 =	sadd.s32 $0x40, s30;
	[sflag:s14] =	ssyncset.done $0x0  }
0x5f: {  	s29 =	sadd.s32 $0x40, s29;
	s28 =	sadd.s32 $0x40, s28;
	[sflag:s14] =	ssyncadd.s32 $0xFFFFFF80  }
0x60: {  	[tilespmem:s21], [sflag:$0x4] =	stream.indirect.gather [hbm4b:s1+s15], $0x80, s20, s15, $0xb8;
	[tilespmem:$0x10200] =	vst v63  }
.LBB2_5:
0x61: {  	_ =	sfence.sel $0x180000  }
0x62: {  	[bflag:$0x0] =	sbarrier.arrive $0xFFFF  }
0x63: {  	_ =	strace $0x90000047  }
0x64: {  	s0 =	stileid.u32;
	[bflag:$0x2] =	sbarrier.arrive $0xFFFF  }
0x65: {  	p0 =	sne.s32 s0, $0x0;
	s0 =	rddreg [dreg:$0x2]  }
0x66: {  	s0 =	sadd.s32 @!p0 $0x100000, s0  }
0x67: {  	[sflag:s0] =	ssyncadd.tile.s32 @!p0 $0x1;
	_ =	shalt  }
.Lfunc_end2:
_tile_overlayer_lowered:
.L_overlay_start_2:
0x68: {  	(tag) =	ssettag $0x2  }
0x69: {  	s0 =	rddreg [dreg:$0x0];
	s2 =	stileid.u32  }
0x6a: {  	s1 =	rddreg [dreg:$0x1];
	p0 =	sne.s32 s2, $0x0  }
0x6b: {  	s3 =	rddreg [dreg:$0x2];
	[bflag:$0x3] =	sbarrier.arrive $0xFFFF;
	s2 =	simm.s32 @!p0 $0x1C05  }
0x6c: {  	[timem:s3], [sflag:s2] =	dma.local @!p0 [hbm:s0], s1  }
0x6d: {  	s0 =	simm.s32 @!p0 $0x5  }
0x6e: {  	_ =	swait.ge @!p0 [sflag:s0], s1  }
0x6f: {  	s1 =	ssub.s32 @!p0 $0x0, s1;
	[sflag:s0] =	ssyncset.done @!p0 $0x0  }
0x70: {  	[sflag:s0] =	ssyncadd.s32 @!p0 s1  }
0x71: {  	[bflag:$0x3] =	sbarrier.arrive $0xFFFF  }
0x72: {  	_ =	shalt  }

</sc_bundles>
